<compile_context>
chip_gen: v7x
topology: tpu7x:2x2x1
jax: 0.10.2.dev20260603
libtpu: 0.0.44.dev20260713+nightly
codegen_flags: <defaults>
</compile_context>

<pallas_src>
import functools

import jax
import jax.numpy as jnp
from jax import lax
from jax.experimental import pallas as pl
from jax.experimental.pallas import tpu as pltpu
from jax.experimental.pallas import tpu_sc as plsc

_NUM_DIMS = 256
_BATCH = 32768
_NSEG = 16
_LANES = 16
_ROWS = 64


def _pwl_sc(x, wi, wd, wt):
    mesh = plsc.VectorSubcoreMesh(core_axis_name="c", subcore_axis_name="s")

    @functools.partial(
        pl.kernel,
        out_type=jax.ShapeDtypeStruct((_BATCH, _NUM_DIMS), jnp.float32),
        mesh=mesh,
        scratch_types=[
            pltpu.VMEM((64 * _NSEG * 2 + 128 * (_NSEG + 1),), jnp.float32),
            pltpu.VMEM((_NUM_DIMS * _NSEG,), jnp.float32),
            pltpu.VMEM((_NUM_DIMS * _NSEG,), jnp.float32),
        ],
        compiler_params=pltpu.CompilerParams(needs_layout_passes=False),
    )
    def run(x_hbm, w_hbm, o_hbm, w_v, c0_v, c1_v):
        pltpu.sync_copy(w_hbm, w_v)

        lane16 = lax.iota(jnp.int32, _LANES) * _NSEG
        jconst = lax.iota(jnp.int32, _LANES).astype(jnp.float32)

        @plsc.parallel_loop(0, 64, unroll=2)
        def _(f):
            e = jnp.exp(w_v[pl.ds(f * _NSEG, _NSEG)])
            cs = plsc.cumsum(e)
            rt = 1.0 / jnp.broadcast_to(jnp.sum(e), (_NSEG,))
            c1 = e * rt
            c0_v[pl.ds(f * _NSEG, _NSEG)] = (cs - e) * rt - jconst * c1
            c1_v[pl.ds(f * _NSEG, _NSEG)] = c1

        @plsc.parallel_loop(0, 64, unroll=2)
        def _(f):
            e = jnp.exp(w_v[pl.ds(1024 + f * _NSEG, _NSEG)])
            cs = plsc.cumsum(e)
            rt = 1.0 / jnp.broadcast_to(jnp.sum(e), (_NSEG,))
            c1 = e * rt
            c0_v[pl.ds((64 + f) * _NSEG, _NSEG)] = (
                1.0 - (cs - e) * rt) + jconst * c1
            c1_v[pl.ds((64 + f) * _NSEG, _NSEG)] = -c1

        @plsc.parallel_loop(0, 128, unroll=2)
        def _(f):
            a = w_v[pl.ds(2048 + f * (_NSEG + 1), _NSEG)]
            b = w_v[pl.ds(2048 + f * (_NSEG + 1) + 1, _NSEG)]
            yl = 1.0 / (1.0 + jnp.exp(-a))
            yr = 1.0 / (1.0 + jnp.exp(-b))
            c1 = yr - yl
            c0_v[pl.ds((128 + f) * _NSEG, _NSEG)] = yl - jconst * c1
            c1_v[pl.ds((128 + f) * _NSEG, _NSEG)] = c1

        def body(x_vmem, o_vmem):
            @plsc.parallel_loop(0, _ROWS * (_NUM_DIMS // _LANES), unroll=8)
            def _(g):
                r = g >> 4
                c = (g & 15) * _LANES
                xv = x_vmem[r, pl.ds(c, _LANES)]
                t = xv * jnp.float32(_NSEG)
                j = t.astype(jnp.int32)
                gidx = (j + c * _NSEG) + lane16
                c0 = plsc.load_gather(c0_v, [gidx])
                c1 = plsc.load_gather(c1_v, [gidx])
                o_vmem[r, pl.ds(c, _LANES)] = c0 + t * c1

        pltpu.emit_pipeline(
            body,
            grid=(_BATCH // _ROWS,),
            in_specs=[pl.BlockSpec((_ROWS, _NUM_DIMS), lambda i: (i, 0))],
            out_specs=[pl.BlockSpec((_ROWS, _NUM_DIMS), lambda i: (i, 0))],
            core_axis_name=("c", "s"),
            dimension_semantics=(pltpu.PARALLEL,),
        )(x_hbm, o_hbm)

    w_all = jnp.concatenate(
        [wi.reshape(-1), wd.reshape(-1), wt.reshape(-1)])
    return run(x, w_all)


def kernel(x, weight_inc, weight_dec, weight_tra, keypoints_x):
    del keypoints_x
    return _pwl_sc(x, weight_inc, weight_dec, weight_tra)

# --- scband reference (transcript-rebuilt; emitter-appended) ---
"""Pipeline reference for scband-piecewise-linear-40759239639941 (READ-ONLY COPY).

The authoritative reference and input builder live on the scoring server;
editing this copy changes nothing except your own understanding.
"""

import jax, jax.numpy as jnp
import numpy as np

NUM_DIMS = 256
L = 17
BATCH = 32768
IDX_INC = np.arange(0, 64)
IDX_DEC = np.arange(64, 128)
IDX_TRA = np.arange(128, 256)
OUT_MIN = 0.0
OUT_MAX = 1.0


def setup_inputs(seed: int = 0) -> dict:
    key = jax.random.key(seed)
    k1, k2, k3, k4 = jax.random.split(key, 4)
    x = jax.random.uniform(k1, (BATCH, NUM_DIMS), dtype=jnp.float32)
    std = (1.0 / L) ** 0.5
    weight_inc = jax.random.normal(k2, (len(IDX_INC), L - 1), dtype=jnp.float32) * std
    weight_dec = jax.random.normal(k3, (len(IDX_DEC), L - 1), dtype=jnp.float32) * std
    weight_tra = jax.random.normal(k4, (len(IDX_TRA), L), dtype=jnp.float32) * std
    keypoints_x = jnp.linspace(0.0, 1.0, L, dtype=jnp.float32)
    return {
        "x": x,
        "weight_inc": weight_inc,
        "weight_dec": weight_dec,
        "weight_tra": weight_tra,
        "keypoints_x": keypoints_x,
    }


def _interpolate(kx, keypoints_y, x):
    # kx: [L] sorted; keypoints_y: [L_y, n_feat]; x: [B, n_feat]
    index = jnp.searchsorted(kx, x)  # side='left', matches torch default
    index = jnp.clip(index, 1, kx.shape[0] - 1)
    len_fragment = kx[index] - kx[index - 1]
    x_frac = (x - kx[index - 1]) / len_fragment
    x_frac = jnp.clip(x_frac, 0.0, 1.0)
    y_left = jnp.take_along_axis(keypoints_y, index - 1, axis=0)
    y_right = jnp.take_along_axis(keypoints_y, index, axis=0)
    return y_left + x_frac * (y_right - y_left)  # torch.lerp


def reference(x, weight_inc, weight_dec, weight_tra, keypoints_x):
    ret = jnp.ones_like(x)
    diff = OUT_MAX - OUT_MIN
    # increasing features
    w = jnp.cumsum(jax.nn.softmax(weight_inc, axis=1), axis=1)
    w = jnp.concatenate([jnp.zeros((w.shape[0], 1), dtype=w.dtype), w], axis=1).T
    ky = diff * w + OUT_MIN
    ret = ret.at[:, IDX_INC].multiply(_interpolate(keypoints_x, ky, x[:, IDX_INC]))
    # decreasing features
    w = jnp.cumsum(jax.nn.softmax(weight_dec, axis=1), axis=1)
    w = jnp.concatenate([jnp.zeros((w.shape[0], 1), dtype=w.dtype), w], axis=1).T
    ky = -diff * w + OUT_MAX
    ret = ret.at[:, IDX_DEC].multiply(_interpolate(keypoints_x, ky, x[:, IDX_DEC]))
    # unconstrained (transform) features
    ky = jax.nn.sigmoid(weight_tra).T
    ret = ret.at[:, IDX_TRA].multiply(_interpolate(keypoints_x, ky, x[:, IDX_TRA]))
    return ret

if __name__ == "__main__":
    import jax
    _d = setup_inputs()
    print(jax.jit(kernel)(*tuple(_d.values())))

</pallas_src>

<mosaic_0001>
#map = affine_map<(d0, d1) -> (0, 0)>
#map1 = affine_map<(d0, d1) -> (0)>
module attributes {stable_mosaic.version = 14 : i64} {
  func.func @run(%arg0: i32, %arg1: i32, %arg2: memref<32768x256xf32, #tpu.memory_space<hbm>>, %arg3: memref<4224xf32, #tpu.memory_space<hbm>>, %arg4: memref<32768x256xf32, #tpu.memory_space<hbm>>, %arg5: memref<4224xf32, #tpu.memory_space<vmem>>, %arg6: memref<4096xf32, #tpu.memory_space<vmem>>, %arg7: memref<4096xf32, #tpu.memory_space<vmem>>) attributes {dimension_semantics = [#tpu.dimension_semantics<core_parallel>, #tpu.dimension_semantics<subcore_parallel>], iteration_bounds = array<i64: 2, 16>, scalar_prefetch = 0 : i64, scratch_operands = 3 : i64, tpu.core_type = #tpu.core_type<sc_vector_subcore>, window_params = [{transform_indices = #map}, {transform_indices = #map1}, {transform_indices = #map}]} {
    "tpu.region"() ({
      %run_scoped3A = tpu.sem_alloc : memref<!tpu.dma_semaphore, #tpu.memory_space<semaphore_mem>>
      tpu.enqueue_dma source(%arg3 : memref<4224xf32, #tpu.memory_space<hbm>>) target(%arg5 : memref<4224xf32, #tpu.memory_space<vmem>>) target_semaphore(%run_scoped3A : memref<!tpu.dma_semaphore, #tpu.memory_space<semaphore_mem>>)
      tpu.wait_dma2 semaphore(%run_scoped3A : memref<!tpu.dma_semaphore, #tpu.memory_space<semaphore_mem>>) src(%arg3 : memref<4224xf32, #tpu.memory_space<hbm>>) dst(%arg5 : memref<4224xf32, #tpu.memory_space<vmem>>)
      tpu.yield
    }) : () -> ()
    %iota3A = tpu.iota {dimensions = array<i32: 0>} : vector<16xi32>
    %mul3A = arith.constant 16 : i32
    %mul3A_0 = vector.broadcast %mul3A : i32 to vector<16xi32>
    %mul3A_1 = arith.muli %iota3A, %mul3A_0 : vector<16xi32>
    %iota3A_2 = tpu.iota {dimensions = array<i32: 0>} : vector<16xi32>
    %convert_element_type3A = arith.sitofp %iota3A_2 : vector<16xi32> to vector<16xf32>
    %parallel_loop3A = arith.constant 0 : i32
    %parallel_loop3A_3 = arith.constant 64 : i32
    %parallel_loop3A_4 = arith.constant 1 : i32
    scf.for %parallel_loop3A_19 = %parallel_loop3A to %parallel_loop3A_3 step %parallel_loop3A_4  : i32 {
      %parallel_loop3A_20 = arith.constant 16 : i32
      %parallel_loop3A_21 = arith.muli %parallel_loop3A_19, %parallel_loop3A_20 : i32
      %parallel_loop3A_22 = arith.index_cast %parallel_loop3A_21 : i32 to index
      %parallel_loop3A_23 = tpu.vector_load %arg5[%parallel_loop3A_22] {strides = array<i32>} : memref<4224xf32, #tpu.memory_space<vmem>>, vector<16xf32>,
      %parallel_loop3A_24 = math.exp %parallel_loop3A_23 : vector<16xf32>
      %parallel_loop3A_25 = arith.constant true
      %parallel_loop3A_26 = vector.broadcast %parallel_loop3A_25 : i1 to vector<16xi1>
      %parallel_loop3A_27 = tpu.scan <sum>, %parallel_loop3A_24 masked %parallel_loop3A_26 : vector<16xf32>, vector<16xi1> -> vector<16xf32>
      %parallel_loop3A_28 = arith.constant true
      %parallel_loop3A_29 = vector.broadcast %parallel_loop3A_28 : i1 to vector<16xi1>
      %parallel_loop3A_30 = tpu.scan <sum>, %parallel_loop3A_24 masked %parallel_loop3A_29 : vector<16xf32>, vector<16xi1> -> vector<16xf32>
      %parallel_loop3A_31 = vector.extract %parallel_loop3A_30[15] : f32 from vector<16xf32>
      %parallel_loop3A_32 = vector.broadcast %parallel_loop3A_31 : f32 to vector<16xf32>
      %parallel_loop3A_33 = arith.constant 1.000000e+00 : f32
      %parallel_loop3A_34 = vector.broadcast %parallel_loop3A_33 : f32 to vector<16xf32>
      %parallel_loop3A_35 = arith.divf %parallel_loop3A_34, %parallel_loop3A_32 : vector<16xf32>
      %parallel_loop3A_36 = arith.mulf %parallel_loop3A_24, %parallel_loop3A_35 : vector<16xf32>
      %parallel_loop3A_37 = arith.subf %parallel_loop3A_27, %parallel_loop3A_24 : vector<16xf32>
      %parallel_loop3A_38 = arith.mulf %parallel_loop3A_37, %parallel_loop3A_35 : vector<16xf32>
      %parallel_loop3A_39 = arith.mulf %convert_element_type3A, %parallel_loop3A_36 : vector<16xf32>
      %parallel_loop3A_40 = arith.subf %parallel_loop3A_38, %parallel_loop3A_39 : vector<16xf32>
      %parallel_loop3A_41 = arith.constant 16 : i32
      %parallel_loop3A_42 = arith.muli %parallel_loop3A_19, %parallel_loop3A_41 : i32
      %parallel_loop3A_43 = arith.index_cast %parallel_loop3A_42 : i32 to index
      %parallel_loop3A_44 = tpu.vector_load %arg6[%parallel_loop3A_43] {strides = array<i32>} : memref<4096xf32, #tpu.memory_space<vmem>>, vector<16xf32>,
      tpu.vector_store %arg6[%parallel_loop3A_43], %parallel_loop3A_40 {strides = array<i32>} : memref<4096xf32, #tpu.memory_space<vmem>>, vector<16xf32>,
      %parallel_loop3A_45 = arith.constant 16 : i32
      %parallel_loop3A_46 = arith.muli %parallel_loop3A_19, %parallel_loop3A_45 : i32
      %parallel_loop3A_47 = arith.index_cast %parallel_loop3A_46 : i32 to index
      %parallel_loop3A_48 = tpu.vector_load %arg7[%parallel_loop3A_47] {strides = array<i32>} : memref<4096xf32, #tpu.memory_space<vmem>>, vector<16xf32>,
      tpu.vector_store %arg7[%parallel_loop3A_47], %parallel_loop3A_36 {strides = array<i32>} : memref<4096xf32, #tpu.memory_space<vmem>>, vector<16xf32>,
    } {sc.loop_unroll_factor = 2 : i64, sc.parallel_access}
    %parallel_loop3A_5 = arith.constant 0 : i32
    %parallel_loop3A_6 = arith.constant 64 : i32
    %parallel_loop3A_7 = arith.constant 1 : i32
    scf.for %parallel_loop3A_19 = %parallel_loop3A_5 to %parallel_loop3A_6 step %parallel_loop3A_7  : i32 {
      %parallel_loop3A_20 = arith.constant 16 : i32
      %parallel_loop3A_21 = arith.muli %parallel_loop3A_19, %parallel_loop3A_20 : i32
      %parallel_loop3A_22 = arith.constant 1024 : i32
      %parallel_loop3A_23 = arith.addi %parallel_loop3A_22, %parallel_loop3A_21 : i32
      %parallel_loop3A_24 = arith.index_cast %parallel_loop3A_23 : i32 to index
      %parallel_loop3A_25 = tpu.vector_load %arg5[%parallel_loop3A_24] {strides = array<i32>} : memref<4224xf32, #tpu.memory_space<vmem>>, vector<16xf32>,
      %parallel_loop3A_26 = math.exp %parallel_loop3A_25 : vector<16xf32>
      %parallel_loop3A_27 = arith.constant true
      %parallel_loop3A_28 = vector.broadcast %parallel_loop3A_27 : i1 to vector<16xi1>
      %parallel_loop3A_29 = tpu.scan <sum>, %parallel_loop3A_26 masked %parallel_loop3A_28 : vector<16xf32>, vector<16xi1> -> vector<16xf32>
      %parallel_loop3A_30 = arith.constant true
      %parallel_loop3A_31 = vector.broadcast %parallel_loop3A_30 : i1 to vector<16xi1>
      %parallel_loop3A_32 = tpu.scan <sum>, %parallel_loop3A_26 masked %parallel_loop3A_31 : vector<16xf32>, vector<16xi1> -> vector<16xf32>
      %parallel_loop3A_33 = vector.extract %parallel_loop3A_32[15] : f32 from vector<16xf32>
      %parallel_loop3A_34 = vector.broadcast %parallel_loop3A_33 : f32 to vector<16xf32>
      %parallel_loop3A_35 = arith.constant 1.000000e+00 : f32
      %parallel_loop3A_36 = vector.broadcast %parallel_loop3A_35 : f32 to vector<16xf32>
      %parallel_loop3A_37 = arith.divf %parallel_loop3A_36, %parallel_loop3A_34 : vector<16xf32>
      %parallel_loop3A_38 = arith.mulf %parallel_loop3A_26, %parallel_loop3A_37 : vector<16xf32>
      %parallel_loop3A_39 = arith.subf %parallel_loop3A_29, %parallel_loop3A_26 : vector<16xf32>
      %parallel_loop3A_40 = arith.mulf %parallel_loop3A_39, %parallel_loop3A_37 : vector<16xf32>
      %parallel_loop3A_41 = arith.constant 1.000000e+00 : f32
      %parallel_loop3A_42 = vector.broadcast %parallel_loop3A_41 : f32 to vector<16xf32>
      %parallel_loop3A_43 = arith.subf %parallel_loop3A_42, %parallel_loop3A_40 : vector<16xf32>
      %parallel_loop3A_44 = arith.mulf %convert_element_type3A, %parallel_loop3A_38 : vector<16xf32>
      %parallel_loop3A_45 = arith.addf %parallel_loop3A_43, %parallel_loop3A_44 : vector<16xf32>
      %parallel_loop3A_46 = arith.constant 64 : i32
      %parallel_loop3A_47 = arith.addi %parallel_loop3A_46, %parallel_loop3A_19 : i32
      %parallel_loop3A_48 = arith.constant 16 : i32
      %parallel_loop3A_49 = arith.muli %parallel_loop3A_47, %parallel_loop3A_48 : i32
      %parallel_loop3A_50 = arith.index_cast %parallel_loop3A_49 : i32 to index
      %parallel_loop3A_51 = tpu.vector_load %arg6[%parallel_loop3A_50] {strides = array<i32>} : memref<4096xf32, #tpu.memory_space<vmem>>, vector<16xf32>,
      tpu.vector_store %arg6[%parallel_loop3A_50], %parallel_loop3A_45 {strides = array<i32>} : memref<4096xf32, #tpu.memory_space<vmem>>, vector<16xf32>,
      %parallel_loop3A_52 = arith.constant 0.000000e+00 : f32
      %parallel_loop3A_53 = vector.broadcast %parallel_loop3A_52 : f32 to vector<16xf32>
      %parallel_loop3A_54 = arith.subf %parallel_loop3A_53, %parallel_loop3A_38 : vector<16xf32>
      %parallel_loop3A_55 = arith.constant 64 : i32
      %parallel_loop3A_56 = arith.addi %parallel_loop3A_55, %parallel_loop3A_19 : i32
      %parallel_loop3A_57 = arith.constant 16 : i32
      %parallel_loop3A_58 = arith.muli %parallel_loop3A_56, %parallel_loop3A_57 : i32
      %parallel_loop3A_59 = arith.index_cast %parallel_loop3A_58 : i32 to index
      %parallel_loop3A_60 = tpu.vector_load %arg7[%parallel_loop3A_59] {strides = array<i32>} : memref<4096xf32, #tpu.memory_space<vmem>>, vector<16xf32>,
      tpu.vector_store %arg7[%parallel_loop3A_59], %parallel_loop3A_54 {strides = array<i32>} : memref<4096xf32, #tpu.memory_space<vmem>>, vector<16xf32>,
    } {sc.loop_unroll_factor = 2 : i64, sc.parallel_access}
    %parallel_loop3A_8 = arith.constant 0 : i32
    %parallel_loop3A_9 = arith.constant 128 : i32
    %parallel_loop3A_10 = arith.constant 1 : i32
    scf.for %parallel_loop3A_19 = %parallel_loop3A_8 to %parallel_loop3A_9 step %parallel_loop3A_10  : i32 {
      %parallel_loop3A_20 = arith.constant 17 : i32
      %parallel_loop3A_21 = arith.muli %parallel_loop3A_19, %parallel_loop3A_20 : i32
      %parallel_loop3A_22 = arith.constant 2048 : i32
      %parallel_loop3A_23 = arith.addi %parallel_loop3A_22, %parallel_loop3A_21 : i32
      %parallel_loop3A_24 = arith.index_cast %parallel_loop3A_23 : i32 to index
      %parallel_loop3A_25 = tpu.vector_load %arg5[%parallel_loop3A_24] {strides = array<i32>} : memref<4224xf32, #tpu.memory_space<vmem>>, vector<16xf32>,
      %parallel_loop3A_26 = arith.constant 17 : i32
      %parallel_loop3A_27 = arith.muli %parallel_loop3A_19, %parallel_loop3A_26 : i32
      %parallel_loop3A_28 = arith.constant 2048 : i32
      %parallel_loop3A_29 = arith.addi %parallel_loop3A_28, %parallel_loop3A_27 : i32
      %parallel_loop3A_30 = arith.constant 1 : i32
      %parallel_loop3A_31 = arith.addi %parallel_loop3A_29, %parallel_loop3A_30 : i32
      %parallel_loop3A_32 = arith.index_cast %parallel_loop3A_31 : i32 to index
      %parallel_loop3A_33 = tpu.vector_load %arg5[%parallel_loop3A_32] {strides = array<i32>} : memref<4224xf32, #tpu.memory_space<vmem>>, vector<16xf32>,
      %parallel_loop3A_34 = arith.constant 0.000000e+00 : f32
      %parallel_loop3A_35 = vector.broadcast %parallel_loop3A_34 : f32 to vector<16xf32>
      %parallel_loop3A_36 = arith.subf %parallel_loop3A_35, %parallel_loop3A_25 : vector<16xf32>
      %parallel_loop3A_37 = math.exp %parallel_loop3A_36 : vector<16xf32>
      %parallel_loop3A_38 = arith.constant 1.000000e+00 : f32
      %parallel_loop3A_39 = vector.broadcast %parallel_loop3A_38 : f32 to vector<16xf32>
      %parallel_loop3A_40 = arith.addf %parallel_loop3A_39, %parallel_loop3A_37 : vector<16xf32>
      %parallel_loop3A_41 = arith.constant 1.000000e+00 : f32
      %parallel_loop3A_42 = vector.broadcast %parallel_loop3A_41 : f32 to vector<16xf32>
      %parallel_loop3A_43 = arith.divf %parallel_loop3A_42, %parallel_loop3A_40 : vector<16xf32>
      %parallel_loop3A_44 = arith.constant 0.000000e+00 : f32
      %parallel_loop3A_45 = vector.broadcast %parallel_loop3A_44 : f32 to vector<16xf32>
      %parallel_loop3A_46 = arith.subf %parallel_loop3A_45, %parallel_loop3A_33 : vector<16xf32>
      %parallel_loop3A_47 = math.exp %parallel_loop3A_46 : vector<16xf32>
      %parallel_loop3A_48 = arith.constant 1.000000e+00 : f32
      %parallel_loop3A_49 = vector.broadcast %parallel_loop3A_48 : f32 to vector<16xf32>
      %parallel_loop3A_50 = arith.addf %parallel_loop3A_49, %parallel_loop3A_47 : vector<16xf32>
      %parallel_loop3A_51 = arith.constant 1.000000e+00 : f32
      %parallel_loop3A_52 = vector.broadcast %parallel_loop3A_51 : f32 to vector<16xf32>
      %parallel_loop3A_53 = arith.divf %parallel_loop3A_52, %parallel_loop3A_50 : vector<16xf32>
      %parallel_loop3A_54 = arith.subf %parallel_loop3A_53, %parallel_loop3A_43 : vector<16xf32>
      %parallel_loop3A_55 = arith.mulf %convert_element_type3A, %parallel_loop3A_54 : vector<16xf32>
      %parallel_loop3A_56 = arith.subf %parallel_loop3A_43, %parallel_loop3A_55 : vector<16xf32>
      %parallel_loop3A_57 = arith.constant 128 : i32
      %parallel_loop3A_58 = arith.addi %parallel_loop3A_57, %parallel_loop3A_19 : i32
      %parallel_loop3A_59 = arith.constant 16 : i32
      %parallel_loop3A_60 = arith.muli %parallel_loop3A_58, %parallel_loop3A_59 : i32
      %parallel_loop3A_61 = arith.index_cast %parallel_loop3A_60 : i32 to index
      %parallel_loop3A_62 = tpu.vector_load %arg6[%parallel_loop3A_61] {strides = array<i32>} : memref<4096xf32, #tpu.memory_space<vmem>>, vector<16xf32>,
      tpu.vector_store %arg6[%parallel_loop3A_61], %parallel_loop3A_56 {strides = array<i32>} : memref<4096xf32, #tpu.memory_space<vmem>>, vector<16xf32>,
      %parallel_loop3A_63 = arith.constant 128 : i32
      %parallel_loop3A_64 = arith.addi %parallel_loop3A_63, %parallel_loop3A_19 : i32
      %parallel_loop3A_65 = arith.constant 16 : i32
      %parallel_loop3A_66 = arith.muli %parallel_loop3A_64, %parallel_loop3A_65 : i32
      %parallel_loop3A_67 = arith.index_cast %parallel_loop3A_66 : i32 to index
      %parallel_loop3A_68 = tpu.vector_load %arg7[%parallel_loop3A_67] {strides = array<i32>} : memref<4096xf32, #tpu.memory_space<vmem>>, vector<16xf32>,
      tpu.vector_store %arg7[%parallel_loop3A_67], %parallel_loop3A_54 {strides = array<i32>} : memref<4096xf32, #tpu.memory_space<vmem>>, vector<16xf32>,
    } {sc.loop_unroll_factor = 2 : i64, sc.parallel_access}
    %mul3A_11 = arith.constant 1 : i32
    %mul3A_12 = arith.muli %arg1, %mul3A_11 : i32
    %add3A = arith.constant 0 : i32
    %add3A_13 = arith.addi %add3A, %mul3A_12 : i32
    %mul3A_14 = arith.constant 16 : i32
    %mul3A_15 = arith.muli %arg0, %mul3A_14 : i32
    %add3A_16 = arith.addi %add3A_13, %mul3A_15 : i32
    %mul3A_17 = arith.constant 16 : i32
    %mul3A_18 = arith.muli %add3A_16, %mul3A_17 : i32
    "tpu.region"() ({
      %run_scoped3A = memref.alloca() : memref<2x64x256xf32, #tpu.memory_space<vmem>>
      %run_scoped3A_19 = tpu.sem_alloc : memref<2x!tpu.dma_semaphore, #tpu.memory_space<semaphore_mem>>
      %run_scoped3A_20 = memref.alloca() : memref<2x64x256xf32, #tpu.memory_space<vmem>>
      %run_scoped3A_21 = tpu.sem_alloc : memref<2x!tpu.dma_semaphore, #tpu.memory_space<semaphore_mem>>
      %add3A_22 = arith.constant 0 : i32
      %add3A_23 = arith.addi %add3A_22, %mul3A_18 : i32
      %select_n3A = arith.constant true
      %select_n3A_24 = arith.constant 0 : i32
      %select_n3A_25 = arith.constant -1 : i32
      %select_n3A_26 = arith.select %select_n3A, %select_n3A_25, %select_n3A_24 : i32
      %eq3A = arith.constant -1 : i32
      %eq3A_27 = arith.cmpi eq, %select_n3A_26, %eq3A : i32
      %select_n3A_28 = arith.constant 15 : i32
      %select_n3A_29 = arith.select %eq3A_27, %select_n3A_28, %select_n3A_26 : i32
      %add3A_30 = arith.addi %select_n3A_29, %mul3A_18 : i32
      %select_n3A_31 = arith.constant true
      %select_n3A_32 = arith.constant 0 : i32
      %select_n3A_33 = arith.constant 1 : i32
      %select_n3A_34 = arith.select %select_n3A_31, %select_n3A_33, %select_n3A_32 : i32
      %eq3A_35 = arith.constant 16 : i32
      %eq3A_36 = arith.cmpi eq, %select_n3A_34, %eq3A_35 : i32
      %select_n3A_37 = arith.constant 0 : i32
      %select_n3A_38 = arith.select %eq3A_36, %select_n3A_37, %select_n3A_34 : i32
      %add3A_39 = arith.addi %select_n3A_38, %mul3A_18 : i32
      %add3A_40 = arith.constant 1 : i32
      %add3A_41 = arith.addi %select_n3A_38, %add3A_40 : i32
      %select_n3A_42 = arith.constant true
      %select_n3A_43 = arith.select %select_n3A_42, %add3A_41, %select_n3A_38 : i32
      %eq3A_44 = arith.constant 16 : i32
      %eq3A_45 = arith.cmpi eq, %select_n3A_43, %eq3A_44 : i32
      %select_n3A_46 = arith.constant 0 : i32
      %select_n3A_47 = arith.select %eq3A_45, %select_n3A_46, %select_n3A_43 : i32
      %add3A_48 = arith.addi %select_n3A_47, %mul3A_18 : i32
      "tpu.trace_start"() <{level = 10 : i32, message = "ep_initialize_0"}> : () -> ()
      %rem3A = arith.constant 0 : i32
      %rem3A_49 = arith.constant 2 : i32
      %rem3A_50 = arith.remui %rem3A, %rem3A_49 : i32
      %mul3A_51 = arith.constant 64 : i32
      %mul3A_52 = arith.muli %mul3A_51, %add3A_23 : i32
      %dma_start3A = arith.constant 0 : i32
      %dma_start3A_53 = arith.constant 0 : i32
      %dma_start3A_54 = tpu.memref_slice %run_scoped3A[%rem3A_50, %dma_start3A, %dma_start3A_53] : memref<2x64x256xf32, #tpu.memory_space<vmem>> -> memref<1x64x256xf32, #tpu.memory_space<vmem>>
      %dma_start3A_55 = tpu.memref_squeeze %dma_start3A_54 : memref<1x64x256xf32, #tpu.memory_space<vmem>> -> memref<64x256xf32, #tpu.memory_space<vmem>>
      %dma_start3A_56 = arith.constant 0 : i32
      %dma_start3A_57 = tpu.memref_slice %arg2[%mul3A_52, %dma_start3A_56] : memref<32768x256xf32, #tpu.memory_space<hbm>> -> memref<64x256xf32, #tpu.memory_space<hbm>>
      %dma_start3A_58 = tpu.memref_slice %run_scoped3A_19[%rem3A_50] : memref<2x!tpu.dma_semaphore, #tpu.memory_space<semaphore_mem>> -> memref<1x!tpu.dma_semaphore, #tpu.memory_space<semaphore_mem>>
      %dma_start3A_59 = tpu.memref_squeeze %dma_start3A_58 : memref<1x!tpu.dma_semaphore, #tpu.memory_space<semaphore_mem>> -> memref<!tpu.dma_semaphore, #tpu.memory_space<semaphore_mem>>
      %dma_start3A_60 = arith.constant 0 : i32
      %dma_start3A_61 = arith.constant 0 : i32
      %dma_start3A_62 = tpu.memref_slice %run_scoped3A[%rem3A_50, %dma_start3A_60, %dma_start3A_61] : memref<2x64x256xf32, #tpu.memory_space<vmem>> -> memref<1x64x256xf32, #tpu.memory_space<vmem>>
      %dma_start3A_63 = tpu.memref_squeeze %dma_start3A_62 : memref<1x64x256xf32, #tpu.memory_space<vmem>> -> memref<64x256xf32, #tpu.memory_space<vmem>>
      %dma_start3A_64 = arith.constant 0 : i32
      %dma_start3A_65 = tpu.memref_slice %arg2[%mul3A_52, %dma_start3A_64] : memref<32768x256xf32, #tpu.memory_space<hbm>> -> memref<64x256xf32, #tpu.memory_space<hbm>>
      tpu.enqueue_dma source(%dma_start3A_65 : memref<64x256xf32, #tpu.memory_space<hbm>>) target(%dma_start3A_63 : memref<64x256xf32, #tpu.memory_space<vmem>>) target_semaphore(%dma_start3A_59 : memref<!tpu.dma_semaphore, #tpu.memory_space<semaphore_mem>>)
      %add3A_66 = arith.constant 0 : i32
      %add3A_67 = arith.constant 1 : i32
      %add3A_68 = arith.addi %add3A_66, %add3A_67 : i32
      %select_n3A_69 = arith.constant true
      %select_n3A_70 = arith.constant 0 : i32
      %select_n3A_71 = arith.select %select_n3A_69, %add3A_68, %select_n3A_70 : i32
      "tpu.trace_stop"() : () -> ()
      %scan3A = arith.constant 0 : i32
      %scan3A_72 = arith.constant 0 : i32
      %scan3A_73 = arith.constant 0 : i32
      %scan3A_74 = arith.constant 0 : i32
      %scan3A_75 = arith.constant 0 : i32
      %scan3A_76 = arith.constant 16 : i32
      %scan3A_77 = arith.addi %scan3A_75, %scan3A_76 : i32
      %scan3A_78 = arith.constant 1 : i32
      %scan3A_79:5 = scf.for %scan3A_133 = %scan3A_75 to %scan3A_77 step %scan3A_78 iter_args(%scan3A_134 = %select_n3A_71, %scan3A_135 = %scan3A, %scan3A_136 = %scan3A_72, %scan3A_137 = %scan3A_73, %scan3A_138 = %scan3A_74) -> (i32, i32, i32, i32, i32)  : i32 {
        %eq3A_139 = arith.constant 0 : i32
        %eq3A_140 = arith.cmpi eq, %scan3A_133, %eq3A_139 : i32
        %eq3A_141 = arith.constant 15 : i32
        %eq3A_142 = arith.cmpi eq, %scan3A_133, %eq3A_141 : i32
        %add3A_143 = arith.addi %scan3A_138, %mul3A_18 : i32
        %sub3A_144 = arith.constant 1 : i32
        %sub3A_145 = arith.subi %scan3A_138, %sub3A_144 : i32
        %select_n3A_146 = arith.constant true
        %select_n3A_147 = arith.select %select_n3A_146, %sub3A_145, %scan3A_138 : i32
        %eq3A_148 = arith.constant -1 : i32
        %eq3A_149 = arith.cmpi eq, %select_n3A_147, %eq3A_148 : i32
        %select_n3A_150 = arith.constant 15 : i32
        %select_n3A_151 = arith.select %eq3A_149, %select_n3A_150, %select_n3A_147 : i32
        %add3A_152 = arith.addi %select_n3A_151, %mul3A_18 : i32
        %add3A_153 = arith.constant 1 : i32
        %add3A_154 = arith.addi %scan3A_138, %add3A_153 : i32
        %select_n3A_155 = arith.constant true
        %select_n3A_156 = arith.select %select_n3A_155, %add3A_154, %scan3A_138 : i32
        %eq3A_157 = arith.constant 16 : i32
        %eq3A_158 = arith.cmpi eq, %select_n3A_156, %eq3A_157 : i32
        %select_n3A_159 = arith.constant 0 : i32
        %select_n3A_160 = arith.select %eq3A_158, %select_n3A_159, %select_n3A_156 : i32
        %add3A_161 = arith.addi %select_n3A_160, %mul3A_18 : i32
        %add3A_162 = arith.constant 1 : i32
        %add3A_163 = arith.addi %select_n3A_160, %add3A_162 : i32
        %select_n3A_164 = arith.constant true
        %select_n3A_165 = arith.select %select_n3A_164, %add3A_163, %select_n3A_160 : i32
        %eq3A_166 = arith.constant 16 : i32
        %eq3A_167 = arith.cmpi eq, %select_n3A_165, %eq3A_166 : i32
        %select_n3A_168 = arith.constant 0 : i32
        %select_n3A_169 = arith.select %eq3A_167, %select_n3A_168, %select_n3A_165 : i32
        %add3A_170 = arith.addi %select_n3A_169, %mul3A_18 : i32
        %ne3A = arith.cmpi ne, %add3A_143, %add3A_161 : i32
        %or3A = arith.constant false
        %or3A_171 = arith.ori %or3A, %ne3A : i1
        %or3A_172 = arith.constant false
        %or3A_173 = arith.ori %or3A_171, %or3A_172 : i1
        %ge3A = arith.constant 15 : i32
        %ge3A_174 = arith.cmpi sge, %scan3A_133, %ge3A : i32
        %not3A = arith.constant true
        %not3A_175 = arith.xori %ge3A_174, %not3A : i1
        %and3A = arith.andi %or3A_173, %not3A_175 : i1
        %convert_element_type3A_176 = arith.extui %and3A : i1 to i32
        %cond3A = arith.constant 0 : i32
        %cond3A_177 = arith.cmpi ne, %convert_element_type3A_176, %cond3A : i32
        scf.if %cond3A_177 {
          "tpu.trace_start"() <{level = 10 : i32, message = "ep_copy_in"}> : () -> ()
          %rem3A_289 = arith.constant 2 : i32
          %rem3A_290 = arith.remui %scan3A_134, %rem3A_289 : i32
          %mul3A_291 = arith.constant 64 : i32
          %mul3A_292 = arith.muli %mul3A_291, %add3A_161 : i32
          %dma_start3A_293 = arith.constant 0 : i32
          %dma_start3A_294 = arith.constant 0 : i32
          %dma_start3A_295 = tpu.memref_slice %run_scoped3A[%rem3A_290, %dma_start3A_293, %dma_start3A_294] : memref<2x64x256xf32, #tpu.memory_space<vmem>> -> memref<1x64x256xf32, #tpu.memory_space<vmem>>
          %dma_start3A_296 = tpu.memref_squeeze %dma_start3A_295 : memref<1x64x256xf32, #tpu.memory_space<vmem>> -> memref<64x256xf32, #tpu.memory_space<vmem>>
          %dma_start3A_297 = arith.constant 0 : i32
          %dma_start3A_298 = tpu.memref_slice %arg2[%mul3A_292, %dma_start3A_297] : memref<32768x256xf32, #tpu.memory_space<hbm>> -> memref<64x256xf32, #tpu.memory_space<hbm>>
          %dma_start3A_299 = tpu.memref_slice %run_scoped3A_19[%rem3A_290] : memref<2x!tpu.dma_semaphore, #tpu.memory_space<semaphore_mem>> -> memref<1x!tpu.dma_semaphore, #tpu.memory_space<semaphore_mem>>
          %dma_start3A_300 = tpu.memref_squeeze %dma_start3A_299 : memref<1x!tpu.dma_semaphore, #tpu.memory_space<semaphore_mem>> -> memref<!tpu.dma_semaphore, #tpu.memory_space<semaphore_mem>>
          %dma_start3A_301 = arith.constant 0 : i32
          %dma_start3A_302 = arith.constant 0 : i32
          %dma_start3A_303 = tpu.memref_slice %run_scoped3A[%rem3A_290, %dma_start3A_301, %dma_start3A_302] : memref<2x64x256xf32, #tpu.memory_space<vmem>> -> memref<1x64x256xf32, #tpu.memory_space<vmem>>
          %dma_start3A_304 = tpu.memref_squeeze %dma_start3A_303 : memref<1x64x256xf32, #tpu.memory_space<vmem>> -> memref<64x256xf32, #tpu.memory_space<vmem>>
          %dma_start3A_305 = arith.constant 0 : i32
          %dma_start3A_306 = tpu.memref_slice %arg2[%mul3A_292, %dma_start3A_305] : memref<32768x256xf32, #tpu.memory_space<hbm>> -> memref<64x256xf32, #tpu.memory_space<hbm>>
          tpu.enqueue_dma source(%dma_start3A_306 : memref<64x256xf32, #tpu.memory_space<hbm>>) target(%dma_start3A_304 : memref<64x256xf32, #tpu.memory_space<vmem>>) target_semaphore(%dma_start3A_300 : memref<!tpu.dma_semaphore, #tpu.memory_space<semaphore_mem>>)
          "tpu.trace_stop"() : () -> ()
        } else {
        }
        %and3A_178 = arith.constant true
        %and3A_179 = arith.andi %and3A, %and3A_178 : i1
        %add3A_180 = arith.constant 1 : i32
        %add3A_181 = arith.addi %scan3A_134, %add3A_180 : i32
        %select_n3A_182 = arith.select %and3A_179, %add3A_181, %scan3A_134 : i32
        %ne3A_183 = arith.cmpi ne, %add3A_143, %add3A_161 : i32
        %or3A_184 = arith.constant false
        %or3A_185 = arith.ori %or3A_184, %ne3A_183 : i1
        %or3A_186 = arith.constant false
        %or3A_187 = arith.ori %or3A_185, %or3A_186 : i1
        %ge3A_188 = arith.constant 15 : i32
        %ge3A_189 = arith.cmpi sge, %scan3A_133, %ge3A_188 : i32
        %not3A_190 = arith.constant true
        %not3A_191 = arith.xori %ge3A_189, %not3A_190 : i1
        %and3A_192 = arith.andi %or3A_187, %not3A_191 : i1
        %ne3A_193 = arith.cmpi ne, %add3A_143, %add3A_152 : i32
        %or3A_194 = arith.constant false
        %or3A_195 = arith.ori %or3A_194, %ne3A_193 : i1
        %or3A_196 = arith.constant false
        %or3A_197 = arith.ori %or3A_195, %or3A_196 : i1
        %or3A_198 = arith.ori %or3A_197, %eq3A_140 : i1
        %convert_element_type3A_199 = arith.extui %or3A_198 : i1 to i32
        %cond3A_200 = arith.constant 0 : i32
        %cond3A_201 = arith.cmpi ne, %convert_element_type3A_199, %cond3A_200 : i32
        scf.if %cond3A_201 {
          "tpu.trace_start"() <{level = 10 : i32, message = "ep_wait_in"}> : () -> ()
          %mul3A_289 = arith.constant 64 : i32
          %mul3A_290 = arith.muli %mul3A_289, %add3A_143 : i32
          %rem3A_291 = arith.constant 2 : i32
          %rem3A_292 = arith.remui %scan3A_135, %rem3A_291 : i32
          %dma_wait3A_293 = arith.constant 0 : i32
          %dma_wait3A_294 = arith.constant 0 : i32
          %dma_wait3A_295 = tpu.memref_slice %run_scoped3A[%rem3A_292, %dma_wait3A_293, %dma_wait3A_294] : memref<2x64x256xf32, #tpu.memory_space<vmem>> -> memref<1x64x256xf32, #tpu.memory_space<vmem>>
          %dma_wait3A_296 = tpu.memref_squeeze %dma_wait3A_295 : memref<1x64x256xf32, #tpu.memory_space<vmem>> -> memref<64x256xf32, #tpu.memory_space<vmem>>
          %dma_wait3A_297 = arith.constant 0 : i32
          %dma_wait3A_298 = tpu.memref_slice %arg2[%mul3A_290, %dma_wait3A_297] : memref<32768x256xf32, #tpu.memory_space<hbm>> -> memref<64x256xf32, #tpu.memory_space<hbm>>
          %dma_wait3A_299 = tpu.memref_slice %run_scoped3A_19[%rem3A_292] : memref<2x!tpu.dma_semaphore, #tpu.memory_space<semaphore_mem>> -> memref<1x!tpu.dma_semaphore, #tpu.memory_space<semaphore_mem>>
          %dma_wait3A_300 = tpu.memref_squeeze %dma_wait3A_299 : memref<1x!tpu.dma_semaphore, #tpu.memory_space<semaphore_mem>> -> memref<!tpu.dma_semaphore, #tpu.memory_space<semaphore_mem>>
          %dma_wait3A_301 = arith.constant 0 : i32
          %dma_wait3A_302 = arith.constant 0 : i32
          %dma_wait3A_303 = tpu.memref_slice %run_scoped3A[%rem3A_292, %dma_wait3A_301, %dma_wait3A_302] : memref<2x64x256xf32, #tpu.memory_space<vmem>> -> memref<1x64x256xf32, #tpu.memory_space<vmem>>
          %dma_wait3A_304 = tpu.memref_squeeze %dma_wait3A_303 : memref<1x64x256xf32, #tpu.memory_space<vmem>> -> memref<64x256xf32, #tpu.memory_space<vmem>>
          %dma_wait3A_305 = arith.constant 0 : i32
          %dma_wait3A_306 = tpu.memref_slice %arg2[%mul3A_290, %dma_wait3A_305] : memref<32768x256xf32, #tpu.memory_space<hbm>> -> memref<64x256xf32, #tpu.memory_space<hbm>>
          tpu.wait_dma2 semaphore(%dma_wait3A_300 : memref<!tpu.dma_semaphore, #tpu.memory_space<semaphore_mem>>) src(%dma_wait3A_306 : memref<64x256xf32, #tpu.memory_space<hbm>>) dst(%dma_wait3A_304 : memref<64x256xf32, #tpu.memory_space<vmem>>)
          "tpu.trace_stop"() : () -> ()
        } else {
        }
        %ne3A_202 = arith.cmpi ne, %add3A_143, %add3A_152 : i32
        %or3A_203 = arith.constant false
        %or3A_204 = arith.ori %or3A_203, %ne3A_202 : i1
        %or3A_205 = arith.constant false
        %or3A_206 = arith.ori %or3A_204, %or3A_205 : i1
        %or3A_207 = arith.ori %or3A_206, %eq3A_140 : i1
        %convert_element_type3A_208 = arith.extui %or3A_207 : i1 to i32
        %cond3A_209 = arith.constant 0 : i32
        %cond3A_210 = arith.cmpi ne, %convert_element_type3A_208, %cond3A_209 : i32
        scf.if %cond3A_210 {
        } else {
        }
        %rem3A_211 = arith.constant 2 : i32
        %rem3A_212 = arith.remui %scan3A_135, %rem3A_211 : i32
        %rem3A_213 = arith.constant 2 : i32
        %rem3A_214 = arith.remui %scan3A_136, %rem3A_213 : i32
        %parallel_loop3A_215 = arith.constant 0 : i32
        %parallel_loop3A_216 = arith.constant 1024 : i32
        %parallel_loop3A_217 = arith.constant 1 : i32
        "tpu.trace_start"() <{level = 10 : i32, message = "ep_run_kernel"}> : () -> ()
        scf.for %parallel_loop3A_289 = %parallel_loop3A_215 to %parallel_loop3A_216 step %parallel_loop3A_217  : i32 {
          %parallel_loop3A_290 = arith.constant 4 : i32
          %parallel_loop3A_291 = arith.shrsi %parallel_loop3A_289, %parallel_loop3A_290 : i32
          %parallel_loop3A_292 = arith.constant 15 : i32
          %parallel_loop3A_293 = arith.andi %parallel_loop3A_289, %parallel_loop3A_292 : i32
          %parallel_loop3A_294 = arith.constant 16 : i32
          %parallel_loop3A_295 = arith.muli %parallel_loop3A_293, %parallel_loop3A_294 : i32
          %parallel_loop3A_296 = arith.constant 0 : i32
          %parallel_loop3A_297 = arith.constant 0 : i32
          %parallel_loop3A_298 = tpu.memref_slice %run_scoped3A[%rem3A_212, %parallel_loop3A_296, %parallel_loop3A_297] : memref<2x64x256xf32, #tpu.memory_space<vmem>> -> memref<1x64x256xf32, #tpu.memory_space<vmem>>
          %parallel_loop3A_299 = tpu.memref_squeeze %parallel_loop3A_298 : memref<1x64x256xf32, #tpu.memory_space<vmem>> -> memref<64x256xf32, #tpu.memory_space<vmem>>
          %parallel_loop3A_300 = arith.index_cast %parallel_loop3A_291 : i32 to index
          %parallel_loop3A_301 = arith.index_cast %parallel_loop3A_295 : i32 to index
          %parallel_loop3A_302 = tpu.vector_load %parallel_loop3A_299[%parallel_loop3A_300, %parallel_loop3A_301] {strides = array<i32>} : memref<64x256xf32, #tpu.memory_space<vmem>>, vector<16xf32>,
          %parallel_loop3A_303 = arith.constant 1.600000e+01 : f32
          %parallel_loop3A_304 = vector.broadcast %parallel_loop3A_303 : f32 to vector<16xf32>
          %parallel_loop3A_305 = arith.mulf %parallel_loop3A_302, %parallel_loop3A_304 : vector<16xf32>
          %parallel_loop3A_306 = arith.fptosi %parallel_loop3A_305 : vector<16xf32> to vector<16xi32>
          %parallel_loop3A_307 = arith.constant 16 : i32
          %parallel_loop3A_308 = arith.muli %parallel_loop3A_295, %parallel_loop3A_307 : i32
          %parallel_loop3A_309 = vector.broadcast %parallel_loop3A_308 : i32 to vector<16xi32>
          %parallel_loop3A_310 = arith.addi %parallel_loop3A_306, %parallel_loop3A_309 : vector<16xi32>
          %parallel_loop3A_311 = arith.addi %parallel_loop3A_310, %mul3A_1 : vector<16xi32>
          %parallel_loop3A_312 = tpu.vector_load_idx %arg6[%parallel_loop3A_311] : memref<4096xf32, #tpu.memory_space<vmem>>[vector<16xi32>], vector<16xf32>,
          %parallel_loop3A_313 = tpu.vector_load_idx %arg7[%parallel_loop3A_311] : memref<4096xf32, #tpu.memory_space<vmem>>[vector<16xi32>], vector<16xf32>,
          %parallel_loop3A_314 = arith.mulf %parallel_loop3A_305, %parallel_loop3A_313 : vector<16xf32>
          %parallel_loop3A_315 = arith.addf %parallel_loop3A_312, %parallel_loop3A_314 : vector<16xf32>
          %parallel_loop3A_316 = arith.constant 0 : i32
          %parallel_loop3A_317 = arith.constant 0 : i32
          %parallel_loop3A_318 = tpu.memref_slice %run_scoped3A_20[%rem3A_214, %parallel_loop3A_316, %parallel_loop3A_317] : memref<2x64x256xf32, #tpu.memory_space<vmem>> -> memref<1x64x256xf32, #tpu.memory_space<vmem>>
          %parallel_loop3A_319 = tpu.memref_squeeze %parallel_loop3A_318 : memref<1x64x256xf32, #tpu.memory_space<vmem>> -> memref<64x256xf32, #tpu.memory_space<vmem>>
          %parallel_loop3A_320 = arith.index_cast %parallel_loop3A_291 : i32 to index
          %parallel_loop3A_321 = arith.index_cast %parallel_loop3A_295 : i32 to index
          %parallel_loop3A_322 = tpu.vector_load %parallel_loop3A_319[%parallel_loop3A_320, %parallel_loop3A_321] {strides = array<i32>} : memref<64x256xf32, #tpu.memory_space<vmem>>, vector<16xf32>,
          tpu.vector_store %parallel_loop3A_319[%parallel_loop3A_320, %parallel_loop3A_321], %parallel_loop3A_315 {strides = array<i32>} : memref<64x256xf32, #tpu.memory_space<vmem>>, vector<16xf32>,
        } {sc.loop_unroll_factor = 8 : i64, sc.parallel_access}
        "tpu.trace_stop"() : () -> ()
        %ne3A_218 = arith.cmpi ne, %add3A_143, %add3A_161 : i32
        %or3A_219 = arith.constant false
        %or3A_220 = arith.ori %or3A_219, %ne3A_218 : i1
        %or3A_221 = arith.constant false
        %or3A_222 = arith.ori %or3A_220, %or3A_221 : i1
        %or3A_223 = arith.ori %or3A_222, %eq3A_142 : i1
        %convert_element_type3A_224 = arith.extui %or3A_223 : i1 to i32
        %cond3A_225 = arith.constant 0 : i32
        %cond3A_226 = arith.cmpi ne, %convert_element_type3A_224, %cond3A_225 : i32
        scf.if %cond3A_226 {
        } else {
        }
        %and3A_227 = arith.constant false
        %and3A_228 = arith.andi %or3A_223, %and3A_227 : i1
        %ne3A_229 = arith.cmpi ne, %add3A_143, %add3A_161 : i32
        %or3A_230 = arith.constant false
        %or3A_231 = arith.ori %or3A_230, %ne3A_229 : i1
        %or3A_232 = arith.constant false
        %or3A_233 = arith.ori %or3A_231, %or3A_232 : i1
        %or3A_234 = arith.ori %or3A_233, %eq3A_142 : i1
        %convert_element_type3A_235 = arith.extui %or3A_234 : i1 to i32
        %cond3A_236 = arith.constant 0 : i32
        %cond3A_237 = arith.cmpi ne, %convert_element_type3A_235, %cond3A_236 : i32
        scf.if %cond3A_237 {
          "tpu.trace_start"() <{level = 10 : i32, message = "ep_copy_out"}> : () -> ()
          %rem3A_289 = arith.constant 2 : i32
          %rem3A_290 = arith.remui %scan3A_136, %rem3A_289 : i32
          %mul3A_291 = arith.constant 64 : i32
          %mul3A_292 = arith.muli %mul3A_291, %add3A_143 : i32
          %dma_start3A_293 = arith.constant 0 : i32
          %dma_start3A_294 = arith.constant 0 : i32
          %dma_start3A_295 = tpu.memref_slice %run_scoped3A_20[%rem3A_290, %dma_start3A_293, %dma_start3A_294] : memref<2x64x256xf32, #tpu.memory_space<vmem>> -> memref<1x64x256xf32, #tpu.memory_space<vmem>>
          %dma_start3A_296 = tpu.memref_squeeze %dma_start3A_295 : memref<1x64x256xf32, #tpu.memory_space<vmem>> -> memref<64x256xf32, #tpu.memory_space<vmem>>
          %dma_start3A_297 = arith.constant 0 : i32
          %dma_start3A_298 = tpu.memref_slice %arg4[%mul3A_292, %dma_start3A_297] : memref<32768x256xf32, #tpu.memory_space<hbm>> -> memref<64x256xf32, #tpu.memory_space<hbm>>
          %dma_start3A_299 = tpu.memref_slice %run_scoped3A_21[%rem3A_290] : memref<2x!tpu.dma_semaphore, #tpu.memory_space<semaphore_mem>> -> memref<1x!tpu.dma_semaphore, #tpu.memory_space<semaphore_mem>>
          %dma_start3A_300 = tpu.memref_squeeze %dma_start3A_299 : memref<1x!tpu.dma_semaphore, #tpu.memory_space<semaphore_mem>> -> memref<!tpu.dma_semaphore, #tpu.memory_space<semaphore_mem>>
          %dma_start3A_301 = arith.constant 0 : i32
          %dma_start3A_302 = tpu.memref_slice %arg4[%mul3A_292, %dma_start3A_301] : memref<32768x256xf32, #tpu.memory_space<hbm>> -> memref<64x256xf32, #tpu.memory_space<hbm>>
          %dma_start3A_303 = arith.constant 0 : i32
          %dma_start3A_304 = arith.constant 0 : i32
          %dma_start3A_305 = tpu.memref_slice %run_scoped3A_20[%rem3A_290, %dma_start3A_303, %dma_start3A_304] : memref<2x64x256xf32, #tpu.memory_space<vmem>> -> memref<1x64x256xf32, #tpu.memory_space<vmem>>
          %dma_start3A_306 = tpu.memref_squeeze %dma_start3A_305 : memref<1x64x256xf32, #tpu.memory_space<vmem>> -> memref<64x256xf32, #tpu.memory_space<vmem>>
          tpu.enqueue_dma source(%dma_start3A_306 : memref<64x256xf32, #tpu.memory_space<vmem>>) target(%dma_start3A_302 : memref<64x256xf32, #tpu.memory_space<hbm>>) target_semaphore(%dma_start3A_300 : memref<!tpu.dma_semaphore, #tpu.memory_space<semaphore_mem>>)
          "tpu.trace_stop"() : () -> ()
        } else {
        }
        %and3A_238 = arith.constant true
        %and3A_239 = arith.andi %or3A_234, %and3A_238 : i1
        %add3A_240 = arith.constant 1 : i32
        %add3A_241 = arith.addi %scan3A_136, %add3A_240 : i32
        %select_n3A_242 = arith.select %and3A_239, %add3A_241, %scan3A_136 : i32
        %ne3A_243 = arith.cmpi ne, %add3A_143, %add3A_152 : i32
        %or3A_244 = arith.constant false
        %or3A_245 = arith.ori %or3A_244, %ne3A_243 : i1
        %or3A_246 = arith.constant false
        %or3A_247 = arith.ori %or3A_245, %or3A_246 : i1
        %not3A_248 = arith.constant true
        %not3A_249 = arith.xori %eq3A_140, %not3A_248 : i1
        %and3A_250 = arith.andi %or3A_247, %not3A_249 : i1
        %convert_element_type3A_251 = arith.extui %and3A_250 : i1 to i32
        %cond3A_252 = arith.constant 0 : i32
        %cond3A_253 = arith.cmpi ne, %convert_element_type3A_251, %cond3A_252 : i32
        scf.if %cond3A_253 {
        } else {
        }
        %and3A_254 = arith.constant false
        %and3A_255 = arith.andi %and3A_250, %and3A_254 : i1
        %ne3A_256 = arith.cmpi ne, %add3A_143, %add3A_152 : i32
        %or3A_257 = arith.constant false
        %or3A_258 = arith.ori %or3A_257, %ne3A_256 : i1
        %or3A_259 = arith.constant false
        %or3A_260 = arith.ori %or3A_258, %or3A_259 : i1
        %not3A_261 = arith.constant true
        %not3A_262 = arith.xori %eq3A_140, %not3A_261 : i1
        %and3A_263 = arith.andi %or3A_260, %not3A_262 : i1
        %convert_element_type3A_264 = arith.extui %and3A_263 : i1 to i32
        %cond3A_265 = arith.constant 0 : i32
        %cond3A_266 = arith.cmpi ne, %convert_element_type3A_264, %cond3A_265 : i32
        scf.if %cond3A_266 {
          "tpu.trace_start"() <{level = 10 : i32, message = "ep_wait_out"}> : () -> ()
          %rem3A_289 = arith.constant 2 : i32
          %rem3A_290 = arith.remui %scan3A_137, %rem3A_289 : i32
          %mul3A_291 = arith.constant 64 : i32
          %mul3A_292 = arith.muli %mul3A_291, %add3A_152 : i32
          %dma_wait3A_293 = arith.constant 0 : i32
          %dma_wait3A_294 = arith.constant 0 : i32
          %dma_wait3A_295 = tpu.memref_slice %run_scoped3A_20[%rem3A_290, %dma_wait3A_293, %dma_wait3A_294] : memref<2x64x256xf32, #tpu.memory_space<vmem>> -> memref<1x64x256xf32, #tpu.memory_space<vmem>>
          %dma_wait3A_296 = tpu.memref_squeeze %dma_wait3A_295 : memref<1x64x256xf32, #tpu.memory_space<vmem>> -> memref<64x256xf32, #tpu.memory_space<vmem>>
          %dma_wait3A_297 = arith.constant 0 : i32
          %dma_wait3A_298 = tpu.memref_slice %arg4[%mul3A_292, %dma_wait3A_297] : memref<32768x256xf32, #tpu.memory_space<hbm>> -> memref<64x256xf32, #tpu.memory_space<hbm>>
          %dma_wait3A_299 = tpu.memref_slice %run_scoped3A_21[%rem3A_290] : memref<2x!tpu.dma_semaphore, #tpu.memory_space<semaphore_mem>> -> memref<1x!tpu.dma_semaphore, #tpu.memory_space<semaphore_mem>>
          %dma_wait3A_300 = tpu.memref_squeeze %dma_wait3A_299 : memref<1x!tpu.dma_semaphore, #tpu.memory_space<semaphore_mem>> -> memref<!tpu.dma_semaphore, #tpu.memory_space<semaphore_mem>>
          %dma_wait3A_301 = arith.constant 0 : i32
          %dma_wait3A_302 = tpu.memref_slice %arg4[%mul3A_292, %dma_wait3A_301] : memref<32768x256xf32, #tpu.memory_space<hbm>> -> memref<64x256xf32, #tpu.memory_space<hbm>>
          %dma_wait3A_303 = arith.constant 0 : i32
          %dma_wait3A_304 = arith.constant 0 : i32
          %dma_wait3A_305 = tpu.memref_slice %run_scoped3A_20[%rem3A_290, %dma_wait3A_303, %dma_wait3A_304] : memref<2x64x256xf32, #tpu.memory_space<vmem>> -> memref<1x64x256xf32, #tpu.memory_space<vmem>>
          %dma_wait3A_306 = tpu.memref_squeeze %dma_wait3A_305 : memref<1x64x256xf32, #tpu.memory_space<vmem>> -> memref<64x256xf32, #tpu.memory_space<vmem>>
          tpu.wait_dma2 semaphore(%dma_wait3A_300 : memref<!tpu.dma_semaphore, #tpu.memory_space<semaphore_mem>>) src(%dma_wait3A_306 : memref<64x256xf32, #tpu.memory_space<vmem>>) dst(%dma_wait3A_302 : memref<64x256xf32, #tpu.memory_space<hbm>>)
          "tpu.trace_stop"() : () -> ()
        } else {
        }
        %and3A_267 = arith.constant true
        %and3A_268 = arith.andi %and3A_263, %and3A_267 : i1
        %add3A_269 = arith.constant 1 : i32
        %add3A_270 = arith.addi %scan3A_137, %add3A_269 : i32
        %select_n3A_271 = arith.select %and3A_268, %add3A_270, %scan3A_137 : i32
        %ne3A_272 = arith.cmpi ne, %add3A_143, %add3A_161 : i32
        %or3A_273 = arith.constant false
        %or3A_274 = arith.ori %or3A_273, %ne3A_272 : i1
        %or3A_275 = arith.constant false
        %or3A_276 = arith.ori %or3A_274, %or3A_275 : i1
        %or3A_277 = arith.ori %or3A_276, %eq3A_142 : i1
        %add3A_278 = arith.constant 1 : i32
        %add3A_279 = arith.addi %scan3A_135, %add3A_278 : i32
        %select_n3A_280 = arith.select %or3A_277, %add3A_279, %scan3A_135 : i32
        %add3A_281 = arith.constant 1 : i32
        %add3A_282 = arith.addi %scan3A_138, %add3A_281 : i32
        %select_n3A_283 = arith.constant true
        %select_n3A_284 = arith.select %select_n3A_283, %add3A_282, %scan3A_138 : i32
        %eq3A_285 = arith.constant 16 : i32
        %eq3A_286 = arith.cmpi eq, %select_n3A_284, %eq3A_285 : i32
        %select_n3A_287 = arith.constant 0 : i32
        %select_n3A_288 = arith.select %eq3A_286, %select_n3A_287, %select_n3A_284 : i32
        scf.yield %select_n3A_182, %select_n3A_280, %select_n3A_242, %select_n3A_271, %select_n3A_288 : i32, i32, i32, i32, i32
      }
      %scan3A_80 = arith.constant 16 : i32
      %sub3A = arith.constant 1 : i32
      %sub3A_81 = arith.subi %scan3A_79#4, %sub3A : i32
      %select_n3A_82 = arith.constant true
      %select_n3A_83 = arith.select %select_n3A_82, %sub3A_81, %scan3A_79#4 : i32
      %eq3A_84 = arith.constant -1 : i32
      %eq3A_85 = arith.cmpi eq, %select_n3A_83, %eq3A_84 : i32
      %select_n3A_86 = arith.constant 15 : i32
      %select_n3A_87 = arith.select %eq3A_85, %select_n3A_86, %select_n3A_83 : i32
      %add3A_88 = arith.addi %select_n3A_87, %mul3A_18 : i32
      %sub3A_89 = arith.constant 1 : i32
      %sub3A_90 = arith.subi %select_n3A_87, %sub3A_89 : i32
      %select_n3A_91 = arith.constant true
      %select_n3A_92 = arith.select %select_n3A_91, %sub3A_90, %select_n3A_87 : i32
      %eq3A_93 = arith.constant -1 : i32
      %eq3A_94 = arith.cmpi eq, %select_n3A_92, %eq3A_93 : i32
      %select_n3A_95 = arith.constant 15 : i32
      %select_n3A_96 = arith.select %eq3A_94, %select_n3A_95, %select_n3A_92 : i32
      %add3A_97 = arith.addi %select_n3A_96, %mul3A_18 : i32
      %add3A_98 = arith.constant 1 : i32
      %add3A_99 = arith.addi %select_n3A_87, %add3A_98 : i32
      %select_n3A_100 = arith.constant true
      %select_n3A_101 = arith.select %select_n3A_100, %add3A_99, %select_n3A_87 : i32
      %eq3A_102 = arith.constant 16 : i32
      %eq3A_103 = arith.cmpi eq, %select_n3A_101, %eq3A_102 : i32
      %select_n3A_104 = arith.constant 0 : i32
      %select_n3A_105 = arith.select %eq3A_103, %select_n3A_104, %select_n3A_101 : i32
      %add3A_106 = arith.addi %select_n3A_105, %mul3A_18 : i32
      %add3A_107 = arith.constant 1 : i32
      %add3A_108 = arith.addi %select_n3A_105, %add3A_107 : i32
      %select_n3A_109 = arith.constant true
      %select_n3A_110 = arith.select %select_n3A_109, %add3A_108, %select_n3A_105 : i32
      %eq3A_111 = arith.constant 16 : i32
      %eq3A_112 = arith.cmpi eq, %select_n3A_110, %eq3A_111 : i32
      %select_n3A_113 = arith.constant 0 : i32
      %select_n3A_114 = arith.select %eq3A_112, %select_n3A_113, %select_n3A_110 : i32
      %add3A_115 = arith.addi %select_n3A_114, %mul3A_18 : i32
      "tpu.trace_start"() <{level = 10 : i32, message = "ep_finalize"}> : () -> ()
      %rem3A_116 = arith.constant 2 : i32
      %rem3A_117 = arith.remui %scan3A_79#3, %rem3A_116 : i32
      %mul3A_118 = arith.constant 64 : i32
      %mul3A_119 = arith.muli %mul3A_118, %add3A_88 : i32
      %dma_wait3A = arith.constant 0 : i32
      %dma_wait3A_120 = arith.constant 0 : i32
      %dma_wait3A_121 = tpu.memref_slice %run_scoped3A_20[%rem3A_117, %dma_wait3A, %dma_wait3A_120] : memref<2x64x256xf32, #tpu.memory_space<vmem>> -> memref<1x64x256xf32, #tpu.memory_space<vmem>>
      %dma_wait3A_122 = tpu.memref_squeeze %dma_wait3A_121 : memref<1x64x256xf32, #tpu.memory_space<vmem>> -> memref<64x256xf32, #tpu.memory_space<vmem>>
      %dma_wait3A_123 = arith.constant 0 : i32
      %dma_wait3A_124 = tpu.memref_slice %arg4[%mul3A_119, %dma_wait3A_123] : memref<32768x256xf32, #tpu.memory_space<hbm>> -> memref<64x256xf32, #tpu.memory_space<hbm>>
      %dma_wait3A_125 = tpu.memref_slice %run_scoped3A_21[%rem3A_117] : memref<2x!tpu.dma_semaphore, #tpu.memory_space<semaphore_mem>> -> memref<1x!tpu.dma_semaphore, #tpu.memory_space<semaphore_mem>>
      %dma_wait3A_126 = tpu.memref_squeeze %dma_wait3A_125 : memref<1x!tpu.dma_semaphore, #tpu.memory_space<semaphore_mem>> -> memref<!tpu.dma_semaphore, #tpu.memory_space<semaphore_mem>>
      %dma_wait3A_127 = arith.constant 0 : i32
      %dma_wait3A_128 = tpu.memref_slice %arg4[%mul3A_119, %dma_wait3A_127] : memref<32768x256xf32, #tpu.memory_space<hbm>> -> memref<64x256xf32, #tpu.memory_space<hbm>>
      %dma_wait3A_129 = arith.constant 0 : i32
      %dma_wait3A_130 = arith.constant 0 : i32
      %dma_wait3A_131 = tpu.memref_slice %run_scoped3A_20[%rem3A_117, %dma_wait3A_129, %dma_wait3A_130] : memref<2x64x256xf32, #tpu.memory_space<vmem>> -> memref<1x64x256xf32, #tpu.memory_space<vmem>>
      %dma_wait3A_132 = tpu.memref_squeeze %dma_wait3A_131 : memref<1x64x256xf32, #tpu.memory_space<vmem>> -> memref<64x256xf32, #tpu.memory_space<vmem>>
      tpu.wait_dma2 semaphore(%dma_wait3A_126 : memref<!tpu.dma_semaphore, #tpu.memory_space<semaphore_mem>>) src(%dma_wait3A_132 : memref<64x256xf32, #tpu.memory_space<vmem>>) dst(%dma_wait3A_128 : memref<64x256xf32, #tpu.memory_space<hbm>>)
      "tpu.trace_stop"() : () -> ()
      tpu.yield
    }) : () -> ()
    return
  }
}

</mosaic_0001>

<sc_bundles>
// kernel: kernel.3.cloned.1.call-start
scs
__scs_entry_jumppad:
0x0: {  	(pc) =	sbr.rel $0x88, $3  }
0x1: {  	(tag) =	ssettag $0x0;
	lr =	simm.s32 $0x1  }
0x2: {  	[smem:$0x3F9D] =	sst lr;
	_ =	strace $0xD0000000  }
0x3: {  	_ = 	snop  }
0x4: {  	_ = 	snop  }
0x5: {  	_ = 	snop  }
0x6: {  	_ = 	snop  }
0x7: {  	_ = 	snop  }
__scs_overlays_trampoline_lowered:
0x8: {  	[smem:$0x3FAC] =	sst s0  }
0x9: {  	[smem:$0x3FAD] =	sst s1  }
0xa: {  	[smem:$0x3FAE] =	sst s2  }
0xb: {  	[smem:$0x3FAF] =	sst s3  }
0xc: {  	[smem:$0x3FB0] =	sst s4  }
0xd: {  	[smem:$0x3FB1] =	sst s5  }
0xe: {  	[smem:$0x3FB2] =	sst s6  }
0xf: {  	[smem:$0x3FB3] =	sst s7  }
0x10: {  	[smem:$0x3FB4] =	sst s8  }
0x11: {  	[smem:$0x3FB5] =	sst s9;
	s0 =	simm.s32 @!p0 $0x0  }
0x12: {  	s1 =	sld [smem:$0x3F9B];
	s0 =	simm.s32 @p0 $0x1  }
0x13: {  	[smem:$0x3FB6] =	sst s0;
	s0 =	simm.s32 @!p1 $0x0  }
0x14: {  	s2 =	sld [smem:$0x3F9A];
	s0 =	simm.s32 @p1 $0x1  }
0x15: {  	[smem:$0x3FB7] =	sst s0;
	s0 =	simm.s32 @!p2 $0x0  }
0x16: {  	s3 =	sld [smem:$0x3FDB];
	s0 =	simm.s32 @p2 $0x1  }
0x17: {  	s4 =	simm.s32 $0x1BF5;
	[smem:$0x3FB9] =	sst s0  }
0x18: {  	s0 =	sld [smem:$0x3F9C];
	_ =	swait.ge [sflag:s4], $0x0  }
0x19: {  	s7 =	sld [smem:$0x3F9D]  }
0x1a: {  	s8 =	sadd.s32 $0xFFFFE003, lr  }
0x1b: {  	s9 =	sadd.s32 $0xFFFFFEF7, lr;
	s5 =	simm.s32 $0xFFFFFFFF;
	p2 =	slt.u32 s8, $0xFFFFF086  }
0x1c: {  	p1 =	slt.u32 s9, $0xF7A;
	s5 =	simm.s32 @!p2 $0x0  }
0x1d: {  	s5 =	simm.s32 @p1 $0x1;
	p0 =	seq.s32 s7, s2  }
0x1e: {  	s7 =	smul.u32 @!p0 $0xF7A, s2;
	p2 =	seq.s32 @!p0 s5, $0x0  }
0x1f: {  	s9 =	smul.u32 $0xF7A, s1;
	s8 =	simm.s32 @!p0 $0x1BF5;
	p2 =	por !p2, p0  }
0x20: {  	[sflag:s8] =	ssyncset.s32 @!p0 $0xFFFFF086;
	s6 =	sadd.s32 @!p0 s3, s7;
	s7 =	simm.s32 @!p0 $0x108  }
0x21: {  	s3 =	sadd.s32 s3, s9;
	s6 =	sadd.s32 @!p0 $0x88, s6;
	s7 =	simm.s32 @p2 $0x1082  }
0x22: {  	[simem:s7], [sflag:s8] =	dma.local @!p0 [hbm:s6], $0xF7A  }
0x23: {  	s9 =	sor.u32 $0xD0000000, s2;
	s6 =	simm.s32 $0x108;
	_ =	swait.ge @!p0 [sflag:s8], $0x0  }
0x24: {  	s3 =	sadd.s32 $0x88, s3;
	s6 =	simm.s32 @!p1 $0x1082;
	[sflag:s4] =	ssyncset.s32 $0xFFFFF086  }
0x25: {  	[simem:s6], [sflag:s4] =	dma.local [hbm:s3], $0xF7A  }
0x26: {  	[smem:$0x3F9D] =	sst s1;
	(tag) =	ssettag s2;
	_ =	strace s9  }
0x27: {  	s1 =	sld [smem:$0x3FAD]  }
0x28: {  	s2 =	sld [smem:$0x3FAE]  }
0x29: {  	s4 =	sld [smem:$0x3FB0]  }
0x2a: {  	p0 =	seq.s32 s5, $0x0;
	s5 =	sld [smem:$0x3FB1]  }
0x2b: {  	s6 =	sld [smem:$0x3FB2]  }
0x2c: {  	s7 =	sld [smem:$0x3FB3]  }
0x2d: {  	s3 =	simm.s32 $0x108;
	s8 =	sld [smem:$0x3FB4]  }
0x2e: {  	s3 =	simm.s32 @!p0 $0x1082;
	s9 =	sld [smem:$0x3FB5]  }
0x2f: {  	lr =	sadd.s32 s0, s3;
	s0 =	sld [smem:$0x3FAC]  }
0x30: {  	s3 =	sld [smem:$0x3FAF]  }
0x31: {  	[smem:$0x3FB8] =	sst s10  }
0x32: {  	s10 =	sld [smem:$0x3FB6];
	_ =	sdelay $0x3  }
0x33: {  	p0 =	seq.s32 s10, $0x1;
	s10 =	sld [smem:$0x3FB8];
	_ =	sdelay $0x3  }
0x34: {  	[smem:$0x3FB8] =	sst s10  }
0x35: {  	s10 =	sld [smem:$0x3FB7];
	_ =	sdelay $0x3  }
0x36: {  	p1 =	seq.s32 s10, $0x1;
	s10 =	sld [smem:$0x3FB8];
	_ =	sdelay $0x3  }
0x37: {  	[smem:$0x3FB8] =	sst s10  }
0x38: {  	s10 =	sld [smem:$0x3FB9]  }
0x39: {  	_ = 	snop;
	(pc) =	sbr.ind lr, $3  }
0x3a: {  	_ = 	snop  }
0x3b: {  	_ = 	snop  }
0x3c: {  	p2 =	seq.s32 s10, $0x1;
	s10 =	sld [smem:$0x3FB8]  }
0x3d: {  	_ =	shalt  }
0x3e: {  	_ =	shalt  }
0x3f: {  	_ =	shalt  }
0x40: {  	_ =	shalt  }
0x41: {  	_ =	shalt  }
0x42: {  	_ =	shalt  }
0x43: {  	_ =	shalt  }
0x44: {  	_ =	shalt  }
0x45: {  	_ =	shalt  }
0x46: {  	_ =	shalt  }
0x47: {  	_ =	shalt  }
0x48: {  	_ =	shalt  }
0x49: {  	_ =	shalt  }
0x4a: {  	_ =	shalt  }
0x4b: {  	_ =	shalt  }
0x4c: {  	_ =	shalt  }
0x4d: {  	_ =	shalt  }
0x4e: {  	_ =	shalt  }
0x4f: {  	_ =	shalt  }
0x50: {  	_ =	shalt  }
0x51: {  	_ =	shalt  }
0x52: {  	_ =	shalt  }
0x53: {  	_ =	shalt  }
0x54: {  	_ =	shalt  }
0x55: {  	_ =	shalt  }
0x56: {  	_ =	shalt  }
0x57: {  	_ =	shalt  }
0x58: {  	_ =	shalt  }
0x59: {  	_ =	shalt  }
0x5a: {  	_ =	shalt  }
0x5b: {  	_ =	shalt  }
0x5c: {  	_ =	shalt  }
0x5d: {  	_ =	shalt  }
0x5e: {  	_ =	shalt  }
0x5f: {  	_ =	shalt  }
0x60: {  	_ =	shalt  }
0x61: {  	_ =	shalt  }
0x62: {  	_ =	shalt  }
0x63: {  	_ =	shalt  }
0x64: {  	_ =	shalt  }
0x65: {  	_ =	shalt  }
0x66: {  	_ =	shalt  }
0x67: {  	_ =	shalt  }
0x68: {  	_ =	shalt  }
0x69: {  	_ =	shalt  }
0x6a: {  	_ =	shalt  }
0x6b: {  	_ =	shalt  }
0x6c: {  	_ =	shalt  }
0x6d: {  	_ =	shalt  }
0x6e: {  	_ =	shalt  }
0x6f: {  	_ =	shalt  }
0x70: {  	_ =	shalt  }
0x71: {  	_ =	shalt  }
0x72: {  	_ =	shalt  }
0x73: {  	_ =	shalt  }
0x74: {  	_ =	shalt  }
0x75: {  	_ =	shalt  }
0x76: {  	_ =	shalt  }
0x77: {  	_ =	shalt  }
0x78: {  	_ =	shalt  }
0x79: {  	_ =	shalt  }
0x7a: {  	_ =	shalt  }
0x7b: {  	_ =	shalt  }
0x7c: {  	_ =	shalt  }
0x7d: {  	_ =	shalt  }
0x7e: {  	_ =	shalt  }
0x7f: {  	_ =	shalt  }
0x80: {  	_ =	shalt  }
0x81: {  	_ =	shalt  }
0x82: {  	_ =	shalt  }
0x83: {  	_ =	shalt  }
0x84: {  	_ =	shalt  }
0x85: {  	_ =	shalt  }
0x86: {  	_ =	shalt  }
0x87: {  	_ =	shalt  }
.Lfunc_end0:
.L_simem_size_0:
called_computation_lowered:
.L_overlay_start_0:
0x88: {  	s2 =	sld [smem:$0x3FD9]  }
0x89: {  	s3 =	sld [smem:$0x3FFE];
	_ =	sdelay $0x1  }
0x8a: {  	s1 =	srdreg.scid  }
0x8b: {  	s0 =	sand.u32 $0x1, s1  }
0x8c: {  	s17 =	sshll.u32 s0, $0xA;
	s2 =	sadd.s32 s3, s2  }
0x8d: {  	s2 =	sadd.s32 s2, s17  }
0x8e: {  	[smem:$0x3FC4] =	sst s2  }
0x8f: {  	_ = 	snop  }
0x90: {  	s2 =	sld [smem:$0x3FC9]  }
0x91: {  	s18 =	sld [smem:$0x3FD0];
	(tm) =	ssettm $0x1  }
0x92: {  	s4 =	sld [smem:$0x3FFB];
	_ =	sdelay $0x3  }
0x93: {  	_ =	strace s4  }
0x94: {  	s4 =	sld [smem:$0x3FFC];
	_ =	sdelay $0x3  }
0x95: {  	_ =	strace s4  }
0x96: {  	s4 =	sld [smem:$0x3FFD];
	_ =	sdelay $0x3  }
0x97: {  	_ =	strace s4  }
0x98: {  	_ =	strace $0x8FFFFFFF  }
0x99: {  	s19 =	sld [smem:$0x3FDB];
	_ =	sdelay $0x1  }
0x9a: {  	s5 =	simm.s32 $_scs_section_size  }
0x9b: {  	s6 =	simm.s32 $_size__tile_overlayer_lowered;
	s7 =	simm.s32 $_tile_overlayer_lowered  }
0x9c: {  	s22 =	simm.s32 $0x1BFF;
	s21 =	sshll.u32 s7, $0x1;
	s4 =	sadd.s32 s5, s19  }
0x9d: {  	s8 =	simm.s32 $0x0;
	s20 =	sshll.u32 s6, $0x1;
	s6 =	sadd.s32 s21, s4  }
0x9e: {  	[timem:s8], [sflag:s22] =	dma.local [hbm:s6], s20  }
0x9f: {  	_ =	swait.ge [sflag:s22], s20  }
0xa0: {  	s5 =	ssub.s32 $0x0, s20;
	[sflag:s22] =	ssyncset.done $0x0  }
0xa1: {  	[sflag:s22] =	ssyncadd.s32 s5;
	_ =	sdelay $0x1  }
0xa2: {  	s23 =	simm.s32 $0x1B8B  }
0xa3: {  	_ =	swait.ge [sflag:s23], $0x1  }
0xa4: {  	[sflag:s23] =	ssyncset.done $0x0  }
0xa5: {  	s25 =	simm.s32 $0x1B8E;
	s24 =	sld [smem:$0x3FFE];
	[sflag:s23] =	ssyncadd.s32 $0xFFFFFFFF  }
0xa6: {  	s26 =	simm.s32 $execute0_lowered;
	[smem:$0x3FD2] =	sst s25  }
0xa7: {  	s6 =	sshll.u32 s26, $0x1;
	_ =	strace $0x80000046;
	[dreg:$0x1] =	wrdreg $0xFFFFFFFF  }
0xa8: {  	s28 =	simm.s32 $_size_execute0_lowered;
	s4 =	sadd.s32 s4, s6;
	[dreg:$0x0] =	wrdreg $0x0  }
0xa9: {  	s6 =	sshll.u32 s28, $0x1;
	[dreg:$0x2] =	wrdreg s4  }
0xaa: {  	[dreg:$0x3] =	wrdreg s6  }
0xab: {  	[dreg:$0x4] =	wrdreg $0xC0  }
0xac: {  	_ =	task [dreg:s8], $0x5FFFF  }
0xad: {  	[dreg:$0x1] =	wrdreg $0xFFFFFFFF  }
0xae: {  	[dreg:$0x0] =	wrdreg $0x60  }
0xaf: {  	[dreg:$0x2] =	wrdreg s2  }
0xb0: {  	[dreg:$0x3] =	wrdreg s24  }
0xb1: {  	[dreg:$0x4] =	wrdreg s18  }
0xb2: {  	[dreg:$0x5] =	wrdreg $0x9  }
0xb3: {  	_ =	task.clear_ibuf [dreg:s8], $0x6FFFF;
	_ =	strace $0x90000046  }
0xb4: {  	s29 =	simm.s32 $0x9;
	_ =	strace $0x8000004F  }
0xb5: {  	_ =	swait.ge [sflag:s29], $0x1  }
0xb6: {  	[sflag:s29] =	ssyncadd.s32 $0xFFFFFFFF  }
0xb7: {  	_ =	strace $0x9000004F  }
0xb8: {  	_ =	sfence  }
0xb9: {  	s30 =	sld [smem:$0x0];
	_ =	sdelay $0x2  }
0xba: {  	s31 =	sshll.u32 s1, $0xD;
	s1 =	sshrl.u32 s1, $0x2  }
0xbb: {  	s3 =	sand.u32 $0x4000, s31;
	s1 =	sadd.s32 s1, s30  }
0xbc: {  	s0 =	sor.u32 s3, s0;
	s1 =	sshll.u32 s1, $0x11  }
0xbd: {  	s0 =	sor.u32 s1, s0  }
0xbe: {  	s0 =	sadd.s32 $0x8F2B, s0  }
0xbf: {  	[sflag:s0] =	ssyncadd.remote.s32 $0x1  }
0xc0: {  	_ =	sfence.sel $0xFFFF  }
0xc1: {  	[dreg:$0x0] =	wrdreg $0xFFFFFFFF;
	(pc) =	sbr.abs _section_cstart, $3  }
0xc2: {  	[dreg:$0x1] =	wrdreg $0xFFFFFFFF  }
0xc3: {  	_ =	task.clear_ibuf [dreg:s8], $0x2FFFF;
	_ =	strace $0x9FFFFFFF  }
0xc4: {  	(tm) =	ssettm $0x7FFFFFFF  }
0xc5: {  	_ =	shalt  }
tec
execute0_lowered:
.L_overlay_start_1:
0x0: {  	(tag) =	ssettag $0x1  }
0x1: {  	v0 =	vimm.f32 $1.500000000e+01;
	vm0 =	vcmask $0x300  }
0x2: {  	vm14 =	vcmask $0x704;
	v0 =	vsel vm0, $0x0, v0  }
0x3: {  	vm15 =	vcmask $0xB08;
	v0 =	vsel vm14, $0x3F800000, v0  }
0x4: {  	vm4 =	vcmask $0xF0C;
	v0 =	vsel vm15, $0x40000000, v0  }
0x5: {  	vm5 =	vcmask $0x1310;
	v0 =	vsel vm4, $0x40400000, v0  }
0x6: {  	vm6 =	vcmask $0x1714;
	v0 =	vsel vm5, $0x40800000, v0  }
0x7: {  	vm7 =	vcmask $0x1B18;
	v0 =	vsel vm6, $0x40A00000, v0  }
0x8: {  	s4 =	rddreg [dreg:$0x0];
	vm8 =	vcmask $0x1F1C;
	v0 =	vsel vm7, $0x40C00000, v0  }
0x9: {  	s0 =	rddreg [dreg:$0x1];
	s2 =	simm.s32 $0x0;
	s1 =	srdreg.scid;
	vm9 =	vcmask $0x2320;
	v0 =	vsel vm8, $0x40E00000, v0  }
0xa: {  	vm10 =	vcmask $0x2724;
	s5 =	stileid.u32;
	[smem:$0x7FF] =	sst s2;
	s1 =	sand.u32 $0x1, s1;
	v0 =	vsel vm9, $0x41000000, v0  }
0xb: {  	vm11 =	vcmask $0x2B28;
	s0 =	sadd.s32 $0x400, s0;
	s28 =	ssub.s32 $0x2, s1;
	s1 =	sshll.u32 s1, $0x4;
	v0 =	vsel vm10, $0x41100000, v0  }
0xc: {  	vm12 =	vcmask $0x2F2C;
	_ =	strace $0x80000047;
	[dreg:$0x4] =	wrdreg s0;
	s1 =	sor.u32 s5, s1;
	v0 =	vsel vm11, $0x41200000, v0  }
0xd: {  	vm13 =	vcmask $0x3330;
	s3 =	sshrl.u32 s28, $0x1;
	s30 =	sshll.u32 s1, $0xF;
	s1 =	sshll.u32 s1, $0x4;
	v0 =	vsel vm12, $0x41300000, v0  }
0xe: {  	vm14 =	vcmask $0x3734;
	s29 =	ssub.s32 s28, s3;
	[dreg:$0x5] =	wrdreg s1;
	s31 =	sadd.s32 s4, s30;
	v0 =	vsel vm13, $0x41400000, v0  }
0xf: {  	v1 =	vlaneseq.u32;
	s11 =	simm.s32 $0x1080;
	vm15 =	vcmask $0x3B38;
	s0 =	smax.u32 s29, $0x1;
	[dreg:$0x6] =	wrdreg s31;
	v0 =	vsel vm14, $0x41500000, v0  }
0x10: {  	s12 =	simm.s32 $0x2080;
	s9 =	simm.s32 $0x0;
	v1 =	vmul.u32 $0x10, v1;
	[dreg:$0x7] =	wrdreg s0;
	v0 =	vsel vm15, $0x41600000, v0  }
.LBB2_1:
0x11: {  	s0 =	simm.s32 $0x0;
	s1 =	rddreg [dreg:$0x4];
	s24 =	simm.s32 $0x1  }
0x12: {  	[tilespmem:s0], [sflag:$0x1] =	stream.linear.gather [hbm4b:s1+s0], $0x1080, $0x38;
	[tilespmem:$0x13080] =	vst v63  }
0x13: {  	_ =	swait.ge [sflag:s24], $0x1080  }
0x14: {  	[sflag:s24] =	ssyncset.done $0x0  }
0x15: {  	s25 =	simm.s32 $0x10;
	[sflag:s24] =	ssyncadd.s32 $0xFFFFEF80  }
0x16: {  	v2 =	vld [tilespmem:s25+$0x0];
	_ =	sdelay $0x3  }
0x17: {  	v3 =	vld [tilespmem:s25+$0xFFFFFFF0]  }
0x18: {  	v2 =	vmul.f32 $1.442695020e+00, v2;
	_ =	sdelay $0x1  }
0x19: {  	(erf) = vpow2.f32 v2  }
0x1a: {  	s26 =	simm.s32 $0x30  }
0x1b: {  	v2 =	vmul.f32 $1.442695020e+00, v3;
	v3 =	vld [tilespmem:s26+$0x0];
	_ =	sdelay $0x2  }
0x1c: {  	(erf) = vpow2.f32 v2  }
0x1d: {  	v2 =	vld [tilespmem:s26+$0xFFFFFFF0]  }
0x1e: {  	v3 =	vmul.f32 $1.442695020e+00, v3;
	_ =	sdelay $0x1  }
0x1f: {  	s28 =	simm.s32 $0x50;
	(erf) = vpow2.f32 v3;
	v8 =	vpop (erf)  }
0x20: {  	v3 =	vld [tilespmem:s28+$0x0];
	(xrf2) =	vadd.scan.msk.f32 $0xffff, v8  }
0x21: {  	v2 =	vmul.f32 $1.442695020e+00, v2;
	_ =	sdelay $0x1  }
0x22: {  	(erf) = vpow2.f32 v2;
	v2 =	vld [tilespmem:s28+$0xFFFFFFF0]  }
0x23: {  	v10 =	vpop (erf)  }
0x24: {  	(xrf2) =	vadd.scan.msk.f32 $0xffff, v10;
	v3 =	vmul.f32 $1.442695020e+00, v3;
	_ =	sdelay $0x1  }
0x25: {  	(erf) = vpow2.f32 v3  }
0x26: {  	s29 =	simm.s32 $0x70;
	v2 =	vmul.f32 $1.442695020e+00, v2;
	v5 =	vpop (erf)  }
0x27: {  	v3 =	vld [tilespmem:s29+$0x0];
	(xrf2) =	vadd.scan.msk.f32 $0xffff, v5  }
0x28: {  	(erf) = vpow2.f32 v2;
	v2 =	vld [tilespmem:s29+$0xFFFFFFF0];
	v11, _, _ =	vpop (xrf2)  }
0x29: {  	v4 =	vbroadcast v11, $0xF  }
0x2a: {  	v7 =	vpop (erf)  }
0x2b: {  	(xrf2) =	vadd.scan.msk.f32 $0xffff, v7;
	(erf) = vrcp.f32 v4  }
0x2c: {  	v3 =	vmul.f32 $1.442695020e+00, v3  }
0x2d: {  	v2 =	vmul.f32 $1.442695020e+00, v2;
	v12, _, _ =	vpop (xrf2)  }
0x2e: {  	s30 =	simm.s32 $0x90;
	v6 =	vpop (erf);
	(erf) = vpow2.f32 v3;
	v3 =	vbroadcast v12, $0xF  }
0x2f: {  	(xrf2) =	vadd.scan.msk.f32 $0xffff, v6;
	(erf) = vpow2.f32 v2;
	v2 =	vld [tilespmem:s30+$0x0]  }
0x30: {  	(erf) = vrcp.f32 v3;
	v3 =	vld [tilespmem:s30+$0xFFFFFFF0]  }
0x31: {  	v9, _, _ =	vpop (xrf2)  }
0x32: {  	v4 =	vpop (erf);
	v13 =	vbroadcast v9, $0xF  }
0x33: {  	(xrf2) =	vadd.scan.msk.f32 $0xffff, v4  }
0x34: {  	s31 =	simm.s32 $0xB0;
	v2 =	vmul.f32 $1.442695020e+00, v2;
	(erf) = vrcp.f32 v13;
	v15 =	vpop (erf)  }
0x35: {  	v16 =	vld [tilespmem:s31+$0x0];
	v14, _, _ =	vpop (xrf2);
	v13 =	vmul.f32 $1.442695020e+00, v3;
	v18 =	vmul.f32 v15, v8;
	v8 =	vsub.f32 v11, v8  }
0x36: {  	(erf) = vpow2.f32 v2;
	v11 =	vbroadcast v14, $0xF  }
0x37: {  	v17 =	vld [tilespmem:s31+$0xFFFFFFF0];
	v3 =	vpop (erf);
	(erf) = vpow2.f32 v13;
	v15 =	vmul.f32 v15, v8  }
0x38: {  	v2 =	vpop (erf);
	v19 =	vmul.f32 v0, v18;
	(erf) = vrcp.f32 v11  }
0x39: {  	v13 =	vsub.f32 v12, v10;
	v12, _, _ =	vpop (xrf2);
	(xrf2) =	vadd.scan.msk.f32 $0xffff, v3  }
0x3a: {  	v16 =	vmul.f32 $1.442695020e+00, v16;
	v20 =	vpop (erf);
	v15 =	vsub.f32 v15, v19  }
0x3b: {  	v8 =	vmul.f32 v20, v10;
	v10 =	vbroadcast v12, $0xF  }
0x3c: {  	s3 =	simm.s32 $0x1090;
	v17 =	vmul.f32 $1.442695020e+00, v17;
	(xrf2) =	vadd.scan.msk.f32 $0xffff, v2;
	v11 =	vmul.f32 v20, v13  }
0x3d: {  	s1 =	simm.s32 $0x2090;
	v13 =	vsub.f32 v14, v7;
	v14 =	vmul.f32 v0, v8;
	(erf) = vrcp.f32 v10;
	v19, _, _ =	vpop (xrf2);
	[tilespmem:s3+$0x0] =	vst v15  }
0x3e: {  	s2 =	simm.s32 $0xD0;
	s0 =	simm.s32 $0xA;
	(erf) = vpow2.f32 v16;
	v16 =	vbroadcast v19, $0xF;
	v10 =	vsub.f32 v19, v4;
	[tilespmem:s1+$0x0] =	vst v18;
	v15 =	vpop (erf)  }
.LBB2_2:
0x3f: {  	(erf) = vpow2.f32 v17;
	v19 =	vmul.f32 v15, v5;
	v17 =	vsub.f32 v9, v5  }
0x40: {  	v18 =	vld [tilespmem:s2+$0x0];
	v5 =	vmov v6;
	v6 =	vmov v3;
	v3 =	vpop (erf);
	v9 =	vmov v12  }
0x41: {  	s0 =	sadd.s32 $0x2, s0;
	v14 =	vsub.f32 v11, v14;
	v20 =	vld [tilespmem:s2+$0xFFFFFFF0];
	v21 =	vpop (erf);
	(xrf2) =	vadd.scan.msk.f32 $0xffff, v3;
	(erf) = vrcp.f32 v16  }
0x42: {  	p0 =	slt.u32 s0, $0x3E;
	v15 =	vmul.f32 v15, v17;
	v16 =	vmul.f32 v0, v19;
	v11 =	vpop (erf)  }
.Ltmp0:
0x43: {  	v12, _, _ =	vpop (xrf2);
	v17 =	vmul.f32 v11, v7;
	v11 =	vmul.f32 v11, v13;
	[tilespmem:s3+$0xFFFFFFF0] =	vst v14;
	v7 =	vmov v4;
	(pc) =	sbr.rel @p0 .LBB2_2-.Ltmp0, $4  }
0x44: {  	v23 =	vsub.f32 v15, v16;
	v4 =	vmovc v2;
	(xrf2) =	vadd.scan.msk.f32 $0xffff, v21;
	v22 =	vbroadcast v12, $0xF;
	[tilespmem:s1+$0xFFFFFFF0] =	vst v8  }
0x45: {  	s3 =	sadd.s32 $0x20, s3;
	v2 =	vmovc v21;
	v13 =	vmovc v10;
	v16 =	vmul.f32 $1.442695020e+00, v18;
	v14 =	vmul.f32 v0, v17;
	v8 =	vmov v17  }
0x46: {  	s1 =	sadd.s32 $0x20, s1;
	v17 =	vmul.f32 $1.442695020e+00, v20;
	v10, _, _ =	vpop (xrf2);
	(erf) = vrcp.f32 v22;
	[tilespmem:s3+$0x0] =	vst v23  }
0x47: {  	s2 =	sadd.s32 $0x20, s2;
	(erf) = vpow2.f32 v16;
	v16 =	vbroadcast v10, $0xF;
	v10 =	vsub.f32 v10, v4;
	v15 =	vpop (erf);
	[tilespmem:s1+$0x0] =	vst v19  }
0x48: {  	_ = 	snop  }
0x49: {  	(erf) = vpow2.f32 v17;
	_ =	sdelay $0x1  }
0x4a: {  	v17 =	vpop (erf)  }
0x4b: {  	(xrf2) =	vadd.scan.msk.f32 $0xffff, v17  }
0x4c: {  	v18 =	vpop (erf)  }
0x4d: {  	v19 =	vpop (erf)  }
0x4e: {  	(xrf2) =	vadd.scan.msk.f32 $0xffff, v18;
	v20 =	vpop (erf)  }
0x4f: {  	v21 =	vpop (erf)  }
0x50: {  	(erf) = vrcp.f32 v16;
	v16, _, _ =	vpop (xrf2);
	(xrf2) =	vadd.scan.msk.f32 $0xffff, v21  }
0x51: {  	v22 =	vpop (erf);
	v23 =	vbroadcast v16, $0xF  }
0x52: {  	v9 =	vsub.f32 v9, v5;
	(xrf2) =	vadd.scan.msk.f32 $0xffff, v22  }
0x53: {  	v5 =	vmul.f32 v15, v5;
	v24, _, _ =	vpop (xrf2)  }
0x54: {  	v9 =	vmul.f32 v15, v9;
	v15 =	vbroadcast v24, $0xF  }
0x55: {  	v7 =	vmul.f32 v19, v7;
	(erf) = vrcp.f32 v23;
	v23, _, _ =	vpop (xrf2)  }
0x56: {  	(erf) = vrcp.f32 v15;
	v15 =	vbroadcast v23, $0xF  }
0x57: {  	v11 =	vsub.f32 v11, v14;
	v25 =	vmul.f32 v0, v5  }
0x58: {  	v12 =	vsub.f32 v12, v6;
	v13 =	vmul.f32 v19, v13;
	v19 =	vmul.f32 v0, v7;
	v26, _, _ =	vpop (xrf2)  }
0x59: {  	v9 =	vsub.f32 v9, v25;
	v14 =	vbroadcast v26, $0xF;
	(erf) = vrcp.f32 v15  }
0x5a: {  	s0 =	sadd.s32 $0x20, s3;
	[tilespmem:s3+$0xFFFFFFF0] =	vst v11;
	v6 =	vmul.f32 v20, v6;
	v12 =	vmul.f32 v20, v12;
	v15, _, _ =	vpop (xrf2)  }
0x5b: {  	[tilespmem:s0+$0x0] =	vst v9;
	v9 =	vsub.f32 v13, v19;
	v11 =	vpop (erf);
	(erf) = vrcp.f32 v14;
	v14 =	vbroadcast v15, $0xF  }
0x5c: {  	[tilespmem:s1+$0xFFFFFFF0] =	vst v8;
	v8 =	vmul.f32 v0, v6;
	v4 =	vmul.f32 v11, v4;
	v20, _, _ =	vpop (xrf2)  }
0x5d: {  	s23 =	sadd.s32 $0x20, s1;
	[tilespmem:s0+$0xFFFFFFF0] =	vst v9;
	v9 =	vsub.f32 v24, v2;
	v13 =	vbroadcast v20, $0xF;
	(erf) = vrcp.f32 v14  }
0x5e: {  	[tilespmem:s23+$0x0] =	vst v5;
	v5 =	vmul.f32 v11, v10;
	v10 =	vmul.f32 v0, v4;
	v11 =	vpop (erf);
	v14 =	vsub.f32 v16, v3  }
0x5f: {  	v8 =	vsub.f32 v12, v8;
	v3 =	vmul.f32 v11, v3;
	(erf) = vrcp.f32 v13  }
0x60: {  	s0 =	sadd.s32 $0x20, s0;
	[tilespmem:s23+$0xFFFFFFF0] =	vst v7;
	v7 =	vmul.f32 v11, v14;
	v11 =	vpop (erf)  }
0x61: {  	s1 =	sadd.s32 $0x20, s23;
	[tilespmem:s0+$0x0] =	vst v8;
	v5 =	vsub.f32 v5, v10;
	v8 =	vmul.f32 v0, v3;
	v2 =	vmul.f32 v11, v2  }
0x62: {  	[tilespmem:s1+$0x0] =	vst v6;
	v10 =	vsub.f32 v23, v17;
	v6 =	vmul.f32 v11, v9;
	v9 =	vpop (erf)  }
0x63: {  	[tilespmem:s0+$0xFFFFFFF0] =	vst v5;
	v5 =	vsub.f32 v7, v8;
	v8 =	vmul.f32 v9, v17;
	v7 =	vmul.f32 v0, v2  }
0x64: {  	s0 =	sadd.s32 $0x20, s0;
	v11 =	vsub.f32 v26, v18;
	[tilespmem:s1+$0xFFFFFFF0] =	vst v4;
	v4 =	vmul.f32 v9, v10;
	v9 =	vpop (erf)  }
0x65: {  	s1 =	sadd.s32 $0x20, s1;
	[tilespmem:s0+$0x0] =	vst v5;
	v5 =	vsub.f32 v6, v7;
	v6 =	vmul.f32 v0, v8;
	v7 =	vmul.f32 v9, v18  }
0x66: {  	v10 =	vsub.f32 v15, v21;
	[tilespmem:s1+$0x0] =	vst v3;
	v3 =	vmul.f32 v9, v11;
	v9 =	vpop (erf)  }
0x67: {  	[tilespmem:s0+$0xFFFFFFF0] =	vst v5;
	v4 =	vsub.f32 v4, v6;
	v5 =	vmul.f32 v0, v7;
	v6 =	vmul.f32 v9, v21  }
0x68: {  	v11 =	vsub.f32 v20, v22;
	s0 =	sadd.s32 $0x20, s0;
	[tilespmem:s1+$0xFFFFFFF0] =	vst v2;
	v2 =	vmul.f32 v9, v10;
	v9 =	vpop (erf)  }
0x69: {  	s1 =	sadd.s32 $0x20, s1;
	[tilespmem:s0+$0x0] =	vst v4;
	v3 =	vsub.f32 v3, v5;
	v5 =	vmul.f32 v9, v22;
	v4 =	vmul.f32 v0, v6  }
0x6a: {  	[tilespmem:s1+$0x0] =	vst v8  }
0x6b: {  	v8 =	vmul.f32 v9, v11;
	[tilespmem:s0+$0xFFFFFFF0] =	vst v3;
	v3 =	vmul.f32 v0, v5;
	v2 =	vsub.f32 v2, v4  }
0x6c: {  	s0 =	sadd.s32 $0x20, s0;
	[tilespmem:s1+$0xFFFFFFF0] =	vst v7  }
0x6d: {  	s1 =	sadd.s32 $0x20, s1;
	[tilespmem:s0+$0x0] =	vst v2;
	v2 =	vsub.f32 v8, v3  }
0x6e: {  	[tilespmem:s1+$0x0] =	vst v6  }
0x6f: {  	s15 =	simm.s32 $0x0;
	[tilespmem:s0+$0xFFFFFFF0] =	vst v2  }
0x70: {  	s24 =	sand.u32 $0x3E0, s15;
	[tilespmem:s1+$0xFFFFFFF0] =	vst v5  }
0x71: {  	v2 =	vld [tilespmem:s24+$0x410];
	_ =	sdelay $0x4  }
0x72: {  	v2 =	vmul.f32 $1.442695020e+00, v2  }
0x73: {  	v3 =	vld [tilespmem:s24+$0x400]  }
0x74: {  	s25 =	simm.s32 $0x20;
	(erf) = vpow2.f32 v2  }
0x75: {  	s0 =	sand.u32 $0x3E0, s25  }
0x76: {  	v2 =	vld [tilespmem:s0+$0x410];
	_ =	sdelay $0x1  }
0x77: {  	v4 =	vld [tilespmem:s0+$0x400];
	v3 =	vmul.f32 $1.442695020e+00, v3;
	_ =	sdelay $0x1  }
0x78: {  	(erf) = vpow2.f32 v3  }
0x79: {  	s26 =	simm.s32 $0x40;
	v2 =	vmul.f32 $1.442695020e+00, v2  }
0x7a: {  	s0 =	sand.u32 $0x3E0, s26  }
0x7b: {  	v3 =	vmul.f32 $1.442695020e+00, v4;
	(erf) = vpow2.f32 v2;
	v2 =	vld [tilespmem:s0+$0x410];
	v4 =	vpop (erf)  }
0x7c: {  	(xrf2) =	vadd.scan.msk.f32 $0xffff, v4;
	_ =	sdelay $0x3  }
0x7d: {  	(erf) = vpow2.f32 v3;
	v3 =	vld [tilespmem:s0+$0x400];
	v2 =	vmul.f32 $1.442695020e+00, v2  }
0x7e: {  	s28 =	simm.s32 $0x60;
	v5 =	vpop (erf)  }
0x7f: {  	s0 =	sand.u32 $0x3E0, s28;
	(xrf2) =	vadd.scan.msk.f32 $0xffff, v5;
	(erf) = vpow2.f32 v2  }
0x80: {  	v2 =	vld [tilespmem:s0+$0x410]  }
0x81: {  	v9 =	vpop (erf)  }
0x82: {  	v3 =	vmul.f32 $1.442695020e+00, v3;
	(xrf2) =	vadd.scan.msk.f32 $0xffff, v9  }
0x83: {  	v6 =	vld [tilespmem:s0+$0x400];
	v8, _, _ =	vpop (xrf2)  }
0x84: {  	(erf) = vpow2.f32 v3;
	v3 =	vbroadcast v8, $0xF  }
0x85: {  	v2 =	vmul.f32 $1.442695020e+00, v2  }
0x86: {  	v13 =	vpop (erf);
	(erf) = vrcp.f32 v3  }
0x87: {  	(xrf2) =	vadd.scan.msk.f32 $0xffff, v13;
	(erf) = vpow2.f32 v2  }
0x88: {  	s29 =	simm.s32 $0x80;
	v3 =	vmul.f32 $1.442695020e+00, v6;
	v7 =	vpop (erf)  }
0x89: {  	s0 =	sand.u32 $0x3E0, s29;
	v10, _, _ =	vpop (xrf2);
	(xrf2) =	vadd.scan.msk.f32 $0xffff, v7  }
0x8a: {  	v2 =	vld [tilespmem:s0+$0x410];
	(erf) = vpow2.f32 v3;
	v3 =	vbroadcast v10, $0xF  }
0x8b: {  	v6 =	vld [tilespmem:s0+$0x400]  }
0x8c: {  	v11, _, _ =	vpop (xrf2);
	(erf) = vrcp.f32 v3  }
0x8d: {  	v12 =	vbroadcast v11, $0xF  }
0x8e: {  	v3 =	vpop (erf)  }
0x8f: {  	s30 =	simm.s32 $0xA0;
	v2 =	vmul.f32 $1.442695020e+00, v2;
	(xrf2) =	vadd.scan.msk.f32 $0xffff, v3;
	(erf) = vrcp.f32 v12;
	v15 =	vpop (erf)  }
0x90: {  	s0 =	sand.u32 $0x3E0, s30;
	v12 =	vmul.f32 $1.442695020e+00, v6;
	v6 =	vpop (erf)  }
0x91: {  	v8 =	vsub.f32 v8, v4;
	v16 =	vld [tilespmem:s0+$0x410];
	v14, _, _ =	vpop (xrf2);
	(erf) = vpow2.f32 v2;
	(xrf2) =	vadd.scan.msk.f32 $0xffff, v6  }
0x92: {  	v17 =	vbroadcast v14, $0xF;
	(erf) = vpow2.f32 v12  }
0x93: {  	v4 =	vmul.f32 v15, v4;
	v12 =	vld [tilespmem:s0+$0x400];
	v15 =	vmul.f32 v15, v8;
	v21, _, _ =	vpop (xrf2)  }
0x94: {  	v8 =	vsub.f32 v14, v13;
	v2 =	vpop (erf);
	v14 =	vbroadcast v21, $0xF  }
0x95: {  	(erf) = vrcp.f32 v17;
	(xrf2) =	vadd.scan.msk.f32 $0xffff, v2;
	v15 =	vsub.f32 $1.000000000e+00, v15;
	v17 =	vmul.f32 v0, v4;
	v18 =	vpop (erf)  }
0x96: {  	s31 =	simm.s32 $0xC0;
	v10 =	vsub.f32 v10, v5;
	v16 =	vmul.f32 $1.442695020e+00, v16;
	v19 =	vmul.f32 v18, v5  }
0x97: {  	s0 =	sand.u32 $0x3E0, s31;
	(erf) = vrcp.f32 v14;
	v5 =	vsub.f32 v11, v9;
	v11 =	vadd.f32 v17, v15  }
0x98: {  	v22 =	vld [tilespmem:s0+$0x400];
	v12 =	vmul.f32 $1.442695020e+00, v12;
	(erf) = vpow2.f32 v16;
	v14 =	vpop (erf)  }
0x99: {  	s1 =	simm.s32 $0x1490;
	v15 =	vsub.f32 $0.0e+00, v4;
	v16 =	vld [tilespmem:s0+$0x410];
	v4, _, _ =	vpop (xrf2);
	v17 =	vmul.f32 v14, v9;
	v14 =	vmul.f32 v14, v5  }
0x9a: {  	v18 =	vmul.f32 v18, v10;
	[tilespmem:s1+$0x0] =	vst v11;
	v20 =	vbroadcast v4, $0xF;
	v9 =	vsub.f32 v4, v3;
	v4 =	vpop (erf)  }
0x9b: {  	(erf) = vpow2.f32 v12;
	v23 =	vsub.f32 $1.000000000e+00, v14;
	v62 =	vmul.f32 v0, v17;
	v11, _, _ =	vpop (xrf2);
	(xrf2) =	vadd.scan.msk.f32 $0xffff, v4  }
0x9c: {  	s3 =	simm.s32 $0x2490;
	v10 =	vsub.f32 $0.0e+00, v19;
	v12 =	vmul.f32 v0, v19;
	v14 =	vsub.f32 $1.000000000e+00, v18  }
0x9d: {  	[tilespmem:s3+$0x0] =	vst v15;
	v5 =	vpop (erf);
	(erf) = vrcp.f32 v20;
	v23 =	vadd.f32 v62, v23;
	v63 =	vbroadcast v11, $0xF  }
0x9e: {  	s4 =	simm.s32 $0x14B0;
	v18 =	vmul.f32 $1.442695020e+00, v22;
	v15 =	vpop (erf);
	v19 =	vmul.f32 $1.442695020e+00, v16;
	v16 =	vsub.f32 $0.0e+00, v17;
	(xrf2) =	vadd.scan.msk.f32 $0xffff, v5  }
0x9f: {  	s2 =	simm.s32 $0xE0;
	s5 =	simm.s32 $0x24B0;
	s0 =	simm.s32 $0xC;
	v17 =	vsub.f32 v21, v7;
	v13 =	vmul.f32 v15, v13;
	v20, _, _ =	vpop (xrf2);
	[tilespmem:s4+$0x0] =	vst v23;
	(erf) = vrcp.f32 v63  }
.LBB2_4:
0xa0: {  	(erf) = vpow2.f32 v19;
	v19 =	vbroadcast v20, $0xF;
	v20 =	vsub.f32 v20, v2;
	v21 =	vpop (erf)  }
0xa1: {  	s6 =	sand.u32 $0x3E0, s2;
	[tilespmem:s5+$0x0] =	vst v16;
	v16 =	vmovc v10;
	v22 =	vmovc v3;
	v3 =	vmov v2;
	v2 =	vmov v5;
	v23 =	vmov v11  }
0xa2: {  	s0 =	sadd.s32 $0x2, s0;
	v24 =	vld [tilespmem:s6+$0x410];
	v25 =	vpop (erf);
	v26 =	vmul.f32 v21, v7;
	v7 =	vmul.f32 v21, v17;
	v21 =	vadd.f32 v12, v14  }
0xa3: {  	v10 =	vsub.f32 $0.0e+00, v13;
	p0 =	slt.u32 s0, $0x3E;
	v14 =	vmul.f32 v15, v8;
	v8 =	vmovc v9;
	v17 =	vld [tilespmem:s6+$0x400];
	(erf) = vpow2.f32 v18;
	(xrf2) =	vadd.scan.msk.f32 $0xffff, v25  }
.Ltmp1:
0xa4: {  	v12 =	vmul.f32 v0, v13;
	v5 =	vpop (erf);
	v28 =	vsub.f32 $1.000000000e+00, v7;
	v18 =	vmul.f32 v0, v26;
	[tilespmem:s1+$0xFFFFFFF0] =	vst v21;
	s1 =	smov.u32 s4;
	(pc) =	sbr.rel @p0 .LBB2_4-.Ltmp1, $4  }
0xa5: {  	v9 =	vmov v20;
	v14 =	vsub.f32 $1.000000000e+00, v14;
	v11, _, _ =	vpop (xrf2);
	(erf) = vrcp.f32 v19;
	[tilespmem:s3+$0xFFFFFFF0] =	vst v16;
	s3 =	smov.u32 s5  }
0xa6: {  	(xrf2) =	vadd.scan.msk.f32 $0xffff, v5;
	v21 =	vbroadcast v11, $0xF;
	v27 =	vadd.f32 v18, v28;
	v15 =	vpop (erf);
	v7 =	vmov v6  }
0xa7: {  	s4 =	sadd.s32 $0x20, s4;
	v16 =	vsub.f32 $0.0e+00, v26;
	v6 =	vmovc v4;
	v4 =	vmovc v25;
	v19 =	vmul.f32 $1.442695020e+00, v24;
	v13 =	vmul.f32 v15, v22  }
0xa8: {  	s2 =	sadd.s32 $0x20, s2;
	s5 =	sadd.s32 $0x20, s5;
	v18 =	vmul.f32 $1.442695020e+00, v17;
	v20, _, _ =	vpop (xrf2);
	(erf) = vrcp.f32 v21;
	v17 =	vsub.f32 v23, v7;
	[tilespmem:s4+$0x0] =	vst v27  }
0xa9: {  	(erf) = vpow2.f32 v19;
	_ =	sdelay $0x3  }
0xaa: {  	v42 =	vpop (erf);
	(erf) = vpow2.f32 v18  }
0xab: {  	v43 =	vpop (erf)  }
0xac: {  	(xrf2) =	vadd.scan.msk.f32 $0xffff, v43;
	v21 =	vpop (erf)  }
0xad: {  	(xrf2) =	vadd.scan.msk.f32 $0xffff, v21;
	v22 =	vpop (erf)  }
0xae: {  	v23 =	vpop (erf)  }
0xaf: {  	v24 =	vpop (erf)  }
0xb0: {  	v25 =	vbroadcast v20, $0xF;
	v44 =	vsub.f32 v20, v2;
	v26, _, _ =	vpop (xrf2);
	(xrf2) =	vadd.scan.msk.f32 $0xffff, v24  }
0xb1: {  	v12 =	vadd.f32 v12, v14;
	v8 =	vmul.f32 v15, v8;
	v14 =	vbroadcast v26, $0xF  }
0xb2: {  	v15 =	vsub.f32 $0.0e+00, v13;
	v13 =	vmul.f32 v0, v13;
	v7 =	vmul.f32 v42, v7  }
0xb3: {  	v11 =	vsub.f32 v11, v6;
	v17 =	vmul.f32 v42, v17;
	(erf) = vrcp.f32 v25;
	v45 =	vpop (erf)  }
0xb4: {  	v8 =	vsub.f32 $1.000000000e+00, v8;
	v3 =	vmul.f32 v22, v3;
	(erf) = vrcp.f32 v14;
	(xrf2) =	vadd.scan.msk.f32 $0xffff, v45  }
0xb5: {  	v17 =	vsub.f32 $1.000000000e+00, v17;
	v46 =	vmul.f32 v0, v7;
	v9 =	vmul.f32 v22, v9;
	v14, _, _ =	vpop (xrf2)  }
0xb6: {  	[tilespmem:s1+$0xFFFFFFF0] =	vst v12;
	v12 =	vsub.f32 $0.0e+00, v3;
	v3 =	vmul.f32 v0, v3;
	v47 =	vbroadcast v14, $0xF;
	v27, _, _ =	vpop (xrf2)  }
0xb7: {  	v7 =	vsub.f32 $0.0e+00, v7;
	v6 =	vmul.f32 v23, v6;
	v48 =	vbroadcast v27, $0xF;
	v50, _, _ =	vpop (xrf2)  }
0xb8: {  	v8 =	vadd.f32 v13, v8;
	(erf) = vrcp.f32 v47;
	v13 =	vbroadcast v50, $0xF  }
0xb9: {  	[tilespmem:s5+$0x0] =	vst v16;
	v17 =	vadd.f32 v46, v17;
	v11 =	vmul.f32 v23, v11;
	(erf) = vrcp.f32 v48  }
0xba: {  	[tilespmem:s3+$0xFFFFFFF0] =	vst v10;
	v9 =	vsub.f32 $1.000000000e+00, v9;
	(erf) = vrcp.f32 v13;
	v13 =	vsub.f32 v26, v4;
	v16, _, _ =	vpop (xrf2)  }
0xbb: {  	s0 =	sadd.s32 $0x20, s4;
	[tilespmem:s4+$0xFFFFFFF0] =	vst v8;
	v11 =	vsub.f32 $1.000000000e+00, v11;
	v49 =	vmul.f32 v0, v6;
	v51 =	vbroadcast v16, $0xF  }
0xbc: {  	[tilespmem:s0+$0x0] =	vst v17;
	v3 =	vadd.f32 v3, v9;
	v14 =	vsub.f32 v14, v5;
	v52 =	vpop (erf)  }
0xbd: {  	s20 =	sadd.s32 $0x20, s5;
	[tilespmem:s5+$0xFFFFFFF0] =	vst v15;
	v2 =	vmul.f32 v52, v2;
	v11 =	vadd.f32 v49, v11;
	v17 =	vpop (erf);
	(erf) = vrcp.f32 v51  }
0xbe: {  	s2 =	sadd.s32 $0x20, s0;
	[tilespmem:s20+$0x0] =	vst v7;
	v6 =	vsub.f32 $0.0e+00, v6;
	v10 =	vmul.f32 v52, v44;
	v7 =	vmul.f32 v17, v13;
	v13, _, _ =	vpop (xrf2)  }
0xbf: {  	s21 =	sadd.s32 $0x20, s20;
	v15 =	vsub.f32 $0.0e+00, v2;
	[tilespmem:s2+$0x0] =	vst v11;
	v4 =	vmul.f32 v17, v4;
	v54 =	vbroadcast v13, $0xF  }
0xc0: {  	v2 =	vmul.f32 v0, v2;
	[tilespmem:s21+$0x0] =	vst v6;
	v6 =	vsub.f32 $1.000000000e+00, v10;
	v17 =	vsub.f32 v27, v43  }
0xc1: {  	v7 =	vsub.f32 $1.000000000e+00, v7;
	v55 =	vmul.f32 v0, v4;
	v56 =	vpop (erf);
	(erf) = vrcp.f32 v54  }
0xc2: {  	v53 =	vsub.f32 v50, v21;
	v2 =	vadd.f32 v2, v6;
	v57 =	vpop (erf)  }
0xc3: {  	[tilespmem:s0+$0xFFFFFFF0] =	vst v3;
	v3 =	vadd.f32 v55, v7;
	v7 =	vmul.f32 v57, v43;
	v10 =	vmul.f32 v57, v17  }
0xc4: {  	s22 =	sadd.s32 $0x20, s2;
	[tilespmem:s20+$0xFFFFFFF0] =	vst v12;
	v4 =	vsub.f32 $0.0e+00, v4;
	v5 =	vmul.f32 v56, v5;
	v6 =	vmul.f32 v56, v14  }
0xc5: {  	s23 =	sadd.s32 $0x20, s21;
	v60 =	vsub.f32 v16, v24;
	[tilespmem:s22+$0x0] =	vst v3;
	v59 =	vpop (erf);
	v3 =	vsub.f32 $1.000000000e+00, v10;
	v58 =	vmul.f32 v0, v7  }
0xc6: {  	v12 =	vsub.f32 v13, v45;
	v6 =	vsub.f32 $1.000000000e+00, v6;
	[tilespmem:s23+$0x0] =	vst v4;
	v4 =	vmul.f32 v0, v5;
	v13 =	vpop (erf)  }
0xc7: {  	[tilespmem:s2+$0xFFFFFFF0] =	vst v2;
	v2 =	vadd.f32 v58, v3;
	v3 =	vmul.f32 v13, v24;
	v61 =	vmul.f32 v13, v60  }
0xc8: {  	s24 =	sadd.s32 $0x20, s22;
	[tilespmem:s21+$0xFFFFFFF0] =	vst v15;
	v62 =	vmul.f32 v59, v21;
	v7 =	vsub.f32 $0.0e+00, v7;
	v8 =	vmul.f32 v59, v53  }
0xc9: {  	s25 =	sadd.s32 $0x20, s23;
	[tilespmem:s24+$0x0] =	vst v2;
	v2 =	vadd.f32 v4, v6;
	v4 =	vsub.f32 $1.000000000e+00, v61;
	v6 =	vmul.f32 v0, v3  }
0xca: {  	v5 =	vsub.f32 $0.0e+00, v5;
	v8 =	vsub.f32 $1.000000000e+00, v8;
	[tilespmem:s25+$0x0] =	vst v7;
	v7 =	vmul.f32 v0, v62;
	v63 =	vpop (erf)  }
0xcb: {  	[tilespmem:s22+$0xFFFFFFF0] =	vst v2;
	v2 =	vadd.f32 v6, v4;
	v4 =	vmul.f32 v63, v45;
	v6 =	vmul.f32 v63, v12  }
0xcc: {  	s26 =	sadd.s32 $0x20, s24;
	[tilespmem:s23+$0xFFFFFFF0] =	vst v5;
	v3 =	vsub.f32 $0.0e+00, v3  }
0xcd: {  	s28 =	sadd.s32 $0x20, s25;
	[tilespmem:s26+$0x0] =	vst v2;
	v2 =	vadd.f32 v7, v8;
	v5 =	vmul.f32 v0, v4;
	v6 =	vsub.f32 $1.000000000e+00, v6  }
0xce: {  	v7 =	vsub.f32 $0.0e+00, v62;
	[tilespmem:s28+$0x0] =	vst v3  }
0xcf: {  	[tilespmem:s24+$0xFFFFFFF0] =	vst v2;
	v2 =	vadd.f32 v5, v6  }
0xd0: {  	v3 =	vsub.f32 $0.0e+00, v4;
	[tilespmem:s25+$0xFFFFFFF0] =	vst v7  }
0xd1: {  	[tilespmem:s26+$0xFFFFFFF0] =	vst v2  }
0xd2: {  	s29 =	simm.s32 $0x812;
	s30 =	simm.s32 $0x11;
	[tilespmem:s28+$0xFFFFFFF0] =	vst v3  }
0xd3: {  	s0 =	sand.u32 $0x1FFF, s30;
	v2 =	vld [tilespmem:s29+$0x0]  }
0xd4: {  	s31 =	sand.u32 $0xFFE, s15;
	v3 =	vld [tilespmem:s0+$0x800]  }
0xd5: {  	p4 =	por $0x1, $0x1;
	v5 =	vld [tilespmem:s31+$0x800]  }
.Ltmp2:
0xd6: {  	_ = 	snop;
	(pc) =	sbr.rel @!p4 .LBB2_6-.Ltmp2, $4  }
0xd7: {  	_ = 	snop  }
0xd8: {  	s15 =	simm.s32 $0x1890;
	s16 =	simm.s32 $0x2890;
	v2 =	vsub.f32 $0.0e+00, v2  }
0xd9: {  	p0 =	por $0x0, $0x0;
	p1 =	por $0x0, $0x0;
	p2 =	por $0x0, $0x0  }
0xda: {  	p3 =	por $0x0, $0x0;
	s0 =	simm.s32 $0x22;
	v4 =	vld [tilespmem:s29+$0xFFFFFFEF];
	[dreg:$0x8] =	wrdreg s9;
	v14 =	vsub.f32 $0.0e+00, v3;
	v13 =	vsub.f32 $0.0e+00, v5;
	v15 =	vmul.f32 $1.442695020e+00, v2  }
0xdb: {  	s2 =	simm.s32 $0x834  }
0xdc: {  	s1 =	simm.s32 $0x33;
	s0 =	sand.u32 $0xFFE, s0;
	v2 =	vld [tilespmem:s2+$0x0]  }
0xdd: {  	s1 =	sand.u32 $0x1FFF, s1;
	v6 =	vld [tilespmem:s0+$0x800]  }
0xde: {  	p4 =	por $0x1, $0x1;
	v3 =	vld [tilespmem:s1+$0x800]  }
.Ltmp3:
0xdf: {  	v5 =	vmul.f32 $1.442695020e+00, v14;
	v4 =	vsub.f32 $0.0e+00, v4;
	(pc) =	sbr.rel @!p4 .LBB2_8-.Ltmp3, $4  }
0xe0: {  	(erf) = vpow2.f32 v15;
	v7 =	vmul.f32 $1.442695020e+00, v13  }
0xe1: {  	(erf) = vpow2.f32 v5;
	v4 =	vmul.f32 $1.442695020e+00, v4;
	v2 =	vsub.f32 $0.0e+00, v2  }
0xe2: {  	(erf) = vpow2.f32 v7;
	v13 =	vsub.f32 $0.0e+00, v6  }
0xe3: {  	p0 =	por $0x1, $0x1;
	s0 =	simm.s32 $0x44;
	v14 =	vsub.f32 $0.0e+00, v3;
	(erf) = vpow2.f32 v4;
	v4 =	vld [tilespmem:s2+$0xFFFFFFEF];
	v15 =	vmul.f32 $1.442695020e+00, v2  }
0xe4: {  	_ =	sdelay $0x2  }
0xe5: {  	s2 =	simm.s32 $0x856  }
0xe6: {  	s1 =	simm.s32 $0x55;
	s0 =	sand.u32 $0xFFE, s0;
	v2 =	vmul.f32 $1.442695020e+00, v14;
	v3 =	vld [tilespmem:s2+$0x0]  }
0xe7: {  	v5 =	vmul.f32 $1.442695020e+00, v13;
	s1 =	sand.u32 $0x1FFF, s1;
	(erf) = vpow2.f32 v15;
	v8 =	vld [tilespmem:s0+$0x800];
	v6 =	vpop (erf)  }
0xe8: {  	v7 =	vld [tilespmem:s1+$0x800];
	(erf) = vpow2.f32 v2;
	v2 =	vadd.f32 $1.000000000e+00, v6;
	v6 =	vpop (erf)  }
0xe9: {  	p4 =	por $0x1, $0x1;
	v4 =	vsub.f32 $0.0e+00, v4;
	(erf) = vpow2.f32 v5;
	v5 =	vadd.f32 $1.000000000e+00, v6  }
.Ltmp4:
0xea: {  	_ = 	snop;
	(pc) =	sbr.rel @!p4 .LBB2_10-.Ltmp4, $4  }
0xeb: {  	v4 =	vmul.f32 $1.442695020e+00, v4;
	v6 =	vpop (erf);
	(erf) = vrcp.f32 v2  }
0xec: {  	v3 =	vsub.f32 $0.0e+00, v3;
	v2 =	vadd.f32 $1.000000000e+00, v6;
	(erf) = vrcp.f32 v5  }
0xed: {  	v13 =	vsub.f32 $0.0e+00, v8;
	v14 =	vsub.f32 $0.0e+00, v7;
	(erf) = vpow2.f32 v4;
	v5 =	vpop (erf)  }
0xee: {  	p1 =	por $0x1, $0x1;
	s0 =	simm.s32 $0x66;
	v15 =	vmul.f32 $1.442695020e+00, v3;
	v4 =	vld [tilespmem:s2+$0xFFFFFFEF];
	(erf) = vrcp.f32 v2;
	v17 =	vadd.f32 $1.000000000e+00, v5  }
0xef: {  	_ = 	snop  }
0xf0: {  	v2 =	vmul.f32 $1.442695020e+00, v14;
	(erf) = vrcp.f32 v17  }
0xf1: {  	s2 =	simm.s32 $0x878;
	v3 =	vmul.f32 $1.442695020e+00, v13;
	v6 =	vpop (erf);
	(erf) = vpow2.f32 v15  }
0xf2: {  	s1 =	simm.s32 $0x77;
	s0 =	sand.u32 $0xFFE, s0;
	v5 =	vld [tilespmem:s2+$0x0];
	(erf) = vpow2.f32 v2;
	v2 =	vadd.f32 $1.000000000e+00, v6;
	v6 =	vpop (erf)  }
0xf3: {  	s1 =	sand.u32 $0x1FFF, s1;
	v8 =	vld [tilespmem:s0+$0x800];
	v4 =	vsub.f32 $0.0e+00, v4;
	(erf) = vpow2.f32 v3;
	v3 =	vadd.f32 $1.000000000e+00, v6  }
0xf4: {  	v7 =	vld [tilespmem:s1+$0x800]  }
0xf5: {  	p4 =	por $0x1, $0x1;
	v6 =	vpop (erf);
	v4 =	vmul.f32 $1.442695020e+00, v4  }
.Ltmp5:
0xf6: {  	(erf) = vrcp.f32 v2;
	v2 =	vpop (erf);
	(pc) =	sbr.rel @!p4 .LBB2_12-.Ltmp5, $4  }
0xf7: {  	v6 =	vadd.f32 $1.000000000e+00, v6;
	(erf) = vrcp.f32 v3;
	v9 =	vsub.f32 $0.0e+00, v5;
	v3 =	vpop (erf)  }
0xf8: {  	v13 =	vsub.f32 $0.0e+00, v8;
	v2 =	vsub.f32 v2, v3  }
0xf9: {  	v14 =	vsub.f32 $0.0e+00, v7;
	(erf) = vpow2.f32 v4;
	v15 =	vmul.f32 $1.442695020e+00, v9;
	v4 =	vpop (erf)  }
0xfa: {  	p2 =	por $0x1, $0x1;
	s0 =	simm.s32 $0x88;
	(erf) = vrcp.f32 v6;
	v7 =	vadd.f32 $1.000000000e+00, v4;
	v4 =	vld [tilespmem:s2+$0xFFFFFFEF];
	v5 =	vpop (erf);
	v6 =	vmul.f32 v0, v2  }
0xfb: {  	v8 =	vmul.f32 $1.442695020e+00, v14;
	_ =	sdelay $0x1  }
0xfc: {  	v9 =	vpop (erf);
	(erf) = vrcp.f32 v7  }
0xfd: {  	v10 =	vmul.f32 $1.442695020e+00, v13;
	v11 =	vpop (erf);
	(erf) = vpow2.f32 v15  }
0xfe: {  	(erf) = vpow2.f32 v8;
	v4 =	vsub.f32 $0.0e+00, v4;
	v8 =	vpop (erf)  }
0xff: {  	(erf) = vpow2.f32 v10;
	v10 =	vadd.f32 $1.000000000e+00, v8  }
0x100: {  	s1 =	simm.s32 $0x99;
	s7 =	simm.s32 $0x89A;
	v11 =	vadd.f32 $1.000000000e+00, v11;
	v4 =	vmul.f32 $1.442695020e+00, v4  }
0x101: {  	s1 =	sand.u32 $0x1FFF, s1;
	v12 =	vld [tilespmem:s7+$0x0];
	v14 =	vpop (erf)  }
0x102: {  	s0 =	sand.u32 $0xFFE, s0;
	v13 =	vld [tilespmem:s1+$0x800];
	(erf) = vrcp.f32 v11;
	v16 =	vpop (erf)  }
0x103: {  	v15 =	vld [tilespmem:s0+$0x800];
	(erf) = vrcp.f32 v10;
	v10 =	vpop (erf)  }
0x104: {  	p4 =	por $0x1, $0x1;
	v8 =	vsub.f32 v9, v5;
	(erf) = vpow2.f32 v4;
	v4 =	vpop (erf)  }
.Ltmp6:
0x105: {  	v9 =	vsub.f32 v3, v6;
	v17 =	vadd.f32 $1.000000000e+00, v4;
	v4 =	vld [tilespmem:s7+$0xFFFFFFEF];
	(pc) =	sbr.rel @!p4 .LBB2_14-.Ltmp6, $4  }
0x106: {  	v18 =	vadd.f32 $1.000000000e+00, v14  }
0x107: {  	s8 =	simm.s32 $0xAA;
	v19 =	vsub.f32 $0.0e+00, v12;
	v11 =	vmul.f32 v0, v8;
	v12 =	vsub.f32 v16, v10  }
0x108: {  	p3 =	por $0x1, $0x1;
	s3 =	simm.s32 $0x2890;
	s4 =	simm.s32 $0x1890;
	[tilespmem:s15+$0x0] =	vst v9;
	v14 =	vsub.f32 $0.0e+00, v13;
	v13 =	vsub.f32 $0.0e+00, v15;
	(erf) = vrcp.f32 v18  }
0x109: {  	s5 =	simm.s32 $0x2890;
	s0 =	simm.s32 $0x8;
	s1 =	simm.s32 $0x1890;
	[tilespmem:s16+$0x0] =	vst v2;
	v15 =	vmul.f32 $1.442695020e+00, v19;
	v16 =	vmov v5;
	v9 =	vpop (erf);
	v18 =	vmul.f32 v0, v12  }
.LBB2_15:
0x10a: {  	s2 =	sand.u32 $0xFFE, s8;
	s6 =	sadd.s32 $0x11, s8;
	v22 =	vsub.f32 $0.0e+00, v4;
	v14 =	vmul.f32 $1.442695020e+00, v14;
	s7 =	sadd.s32 $0x22, s7;
	(erf) = vrcp.f32 v17;
	v17 =	vpop (erf)  }
0x10b: {  	s0 =	sadd.s32 $0x2, s0;
	s6 =	sand.u32 $0x1FFF, s6;
	v19 =	vld [tilespmem:s7+$0x0];
	v13 =	vmul.f32 $1.442695020e+00, v13;
	(erf) = vpow2.f32 v15;
	v15 =	vpop (erf);
	v10 =	vsub.f32 v10, v18  }
0x10c: {  	s1 =	sadd.s32 $0x20, s1;
	p4 =	slt.u32 s0, $0x7E;
	v18 =	vld [tilespmem:s6+$0x800];
	v20 =	vmul.f32 $1.442695020e+00, v22;
	(erf) = vpow2.f32 v14;
	v23 =	vadd.f32 $1.000000000e+00, v15;
	v4 =	vpop (erf)  }
0x10d: {  	s3 =	sadd.s32 $0x20, s3;
	v22 =	vsub.f32 v17, v9;
	v15 =	vld [tilespmem:s2+$0x800];
	(erf) = vpow2.f32 v13;
	v13 =	vadd.f32 $1.000000000e+00, v4;
	v21 =	vpop (erf);
	[tilespmem:s1+$0x0] =	vst v10  }
.Ltmp7:
0x10e: {  	v17 =	vsub.f32 v16, v11;
	v4 =	vld [tilespmem:s7+$0xFFFFFFEF];
	v21 =	vadd.f32 $1.000000000e+00, v21;
	(erf) = vrcp.f32 v23;
	v14 =	vpop (erf);
	[tilespmem:s3+$0x0] =	vst v12;
	(pc) =	sbr.rel @p4 .LBB2_15-.Ltmp7, $4  }
0x10f: {  	v16 =	vmov v9;
	v11 =	vmul.f32 v0, v22;
	(erf) = vrcp.f32 v13;
	v10 =	vpop (erf)  }
0x110: {  	v19 =	vsub.f32 $0.0e+00, v19;
	(erf) = vpow2.f32 v20;
	v9 =	vpop (erf);
	v12 =	vsub.f32 v14, v10;
	[tilespmem:s4+$0xFFFFFFF0] =	vst v17;
	s4 =	smov.u32 s1  }
0x111: {  	v14 =	vsub.f32 $0.0e+00, v18;
	v17 =	vadd.f32 $1.000000000e+00, v9;
	(erf) = vrcp.f32 v21;
	v9 =	vpop (erf);
	[tilespmem:s5+$0xFFFFFFF0] =	vst v8;
	s5 =	smov.u32 s3  }
0x112: {  	s8 =	sadd.s32 $0x22, s8;
	v8 =	vmovc v22;
	v13 =	vsub.f32 $0.0e+00, v15;
	v15 =	vmul.f32 $1.442695020e+00, v19;
	v18 =	vmul.f32 v0, v12  }
0x113: {  	_ = 	snop  }
.LBB2_17:
0x114: {  	v14 =	vmul.f32 $1.442695020e+00, v14;
	(erf) = vrcp.f32 @p1 v17;
	v17 =	vpop @p2 (erf)  }
0x115: {  	v13 =	vmul.f32 $1.442695020e+00, v13;
	(erf) = vpow2.f32 v15;
	v15 =	vpop @p0 (erf)  }
0x116: {  	v4 =	vsub.f32 $0.0e+00, v4;
	(erf) = vpow2.f32 v14;
	v14 =	vadd.f32 @p0 $1.000000000e+00, v15;
	v15 =	vpop @p0 (erf)  }
0x117: {  	(erf) = vpow2.f32 v13;
	v13 =	vadd.f32 @p0 $1.000000000e+00, v15  }
0x118: {  	v4 =	vmul.f32 $1.442695020e+00, v4  }
0x119: {  	v15 =	vpop @p0 (erf);
	(erf) = vrcp.f32 @p0 v14  }
0x11a: {  	v14 =	vpop @p1 (erf);
	(erf) = vrcp.f32 @p0 v13  }
0x11b: {  	v13 =	vpop @p1 (erf);
	(erf) = vpow2.f32 v4  }
0x11c: {  	v4 =	vpop @p0 (erf)  }
0x11d: {  	v19 =	vpop @p1 (erf)  }
0x11e: {  	v15 =	vadd.f32 @p0 $1.000000000e+00, v15;
	v4 =	vadd.f32 @p0 $1.000000000e+00, v4;
	v20 =	vpop @p1 (erf)  }
0x11f: {  	v10 =	vsub.f32 @p2 v10, v18;
	v21 =	vpop (erf)  }
0x120: {  	(erf) = vrcp.f32 @p0 v15;
	v4 =	vpsel p0, v4, v7;
	v51 =	vadd.f32 $1.000000000e+00, v21;
	v52 =	vpop (erf)  }
0x121: {  	s0 =	sadd.s32 @p3 $0x20, s1;
	s1 =	simm.s32 $0x1890;
	v14 =	vsub.f32 @p1 v14, v13;
	(erf) = vrcp.f32 @p0 v4;
	v53 =	vadd.f32 $1.000000000e+00, v52;
	v54 =	vpop (erf)  }
0x122: {  	s2 =	simm.s32 $0x2890;
	v17 =	vsub.f32 @p2 v17, v9;
	s1 =	smov.u32 @p3 s0;
	s0 =	sadd.s32 @p3 $0x20, s3;
	(erf) = vrcp.f32 v51;
	v7 =	vpop @p0 (erf)  }
0x123: {  	[tilespmem:s1+$0x0] =	vst @p2 v10;
	s2 =	smov.u32 @p3 s0;
	v10 =	vsub.f32 @p3 v16, v11;
	v11 =	vmul.f32 @p1 v0, v14;
	(erf) = vrcp.f32 v53;
	v4 =	vpop @p0 (erf)  }
0x124: {  	[tilespmem:s2+$0x0] =	vst @p2 v12;
	v12 =	vmul.f32 @p2 v0, v17;
	v15 =	vadd.f32 $1.000000000e+00, v54;
	v55 =	vpop (erf)  }
0x125: {  	v3 =	vpsel p1, v13, v3;
	v6 =	vpsel p1, v11, v6;
	v56 =	vadd.f32 $1.000000000e+00, v55  }
0x126: {  	s3 =	simm.s32 $0x1890;
	s0 =	sadd.s32 @p2 $0x20, s1;
	[tilespmem:s4+$0xFFFFFFF0] =	vst @p3 v10;
	v3 =	vsub.f32 @p1 v3, v6;
	(erf) = vrcp.f32 v15;
	v6 =	vsub.f32 @p0 v7, v4  }
0x127: {  	s3 =	smov.u32 @p2 s0;
	[tilespmem:s5+$0xFFFFFFF0] =	vst @p3 v8;
	v8 =	vpsel p2, v12, v0;
	v7 =	vpsel p2, v9, v0;
	(erf) = vrcp.f32 v56  }
0x128: {  	[tilespmem:s3+$0x0] =	vst @p1 v3;
	v3 =	vsub.f32 @p2 v7, v8;
	v7 =	vmul.f32 @p0 v0, v6  }
0x129: {  	s1 =	smov.u32 @p2 s1;
	v5 =	vpsel p1, v19, v5;
	v11 =	vpop @p0 (erf)  }
0x12a: {  	s0 =	sadd.s32 @p2 $0x20, s2;
	s4 =	simm.s32 $0x2890;
	v9 =	vsub.f32 @p1 v20, v5;
	[tilespmem:s1+$0xFFFFFFF0] =	vst @p2 v3;
	v3 =	vpsel p0, v4, v0;
	v4 =	vpsel p0, v7, v0;
	v8 =	vpop @p0 (erf)  }
0x12b: {  	s4 =	smov.u32 @p2 s0;
	s0 =	smov.u32 @p2 s2;
	v10 =	vmov @p2 v17;
	v2 =	vpsel p1, v14, v2;
	v3 =	vsub.f32 @p0 v3, v4;
	v57 =	vpop (erf)  }
0x12c: {  	s0 =	smov.u32 @p2 s0;
	v10 =	vpsel p2, v10, v0;
	[tilespmem:s4+$0x0] =	vst @p1 v2;
	v2 =	vmul.f32 @p1 v0, v9;
	v58 =	vpop (erf)  }
0x12d: {  	s1 =	simm.s32 $0x1890;
	[tilespmem:s0+$0xFFFFFFF0] =	vst @p2 v10;
	v10 =	vpsel p0, v11, v0;
	s0 =	sadd.s32 @p1 $0x20, s3;
	v59 =	vsub.f32 v57, v58  }
0x12e: {  	s2 =	simm.s32 $0x2890;
	v5 =	vpsel p1, v5, v0;
	v2 =	vpsel p1, v2, v0;
	s1 =	smov.u32 @p1 s0;
	s0 =	sadd.s32 @p1 $0x20, s4;
	v8 =	vsub.f32 @p0 v8, v10  }
0x12f: {  	v6 =	vpsel p0, v6, v0;
	v2 =	vsub.f32 @p1 v5, v2;
	s2 =	smov.u32 @p1 s0;
	[tilespmem:s1+$0x0] =	vst @p0 v3;
	v3 =	vpop (erf);
	v60 =	vmul.f32 v0, v59  }
0x130: {  	v9 =	vpsel p1, v9, v0;
	s3 =	smov.u32 @p1 s3;
	s0 =	smov.u32 @p1 s4;
	[tilespmem:s2+$0x0] =	vst @p0 v6;
	v6 =	vmul.f32 @p0 v0, v8;
	v61 =	vpop (erf)  }
0x131: {  	v7 =	vpsel p0, v10, v0;
	s0 =	smov.u32 @p1 s0;
	[tilespmem:s3+$0xFFFFFFF0] =	vst @p1 v2;
	s3 =	sadd.s32 @p0 $0x20, s1;
	v2 =	vsub.f32 v58, v60;
	v62 =	vsub.f32 v61, v3  }
0x132: {  	[tilespmem:s0+$0xFFFFFFF0] =	vst @p1 v9;
	s15 =	smov.u32 @p0 s3;
	s0 =	sadd.s32 @p0 $0x20, s2;
	v6 =	vpsel p0, v6, v0  }
0x133: {  	s16 =	smov.u32 @p0 s0;
	[tilespmem:s15+$0x0] =	vst v2;
	v2 =	vsub.f32 @p0 v7, v6;
	v63 =	vmul.f32 v0, v62  }
0x134: {  	s1 =	smov.u32 @p0 s1;
	s0 =	smov.u32 @p0 s2;
	v7 =	vmov @p0 v8;
	[tilespmem:s16+$0x0] =	vst v59  }
0x135: {  	s0 =	smov.u32 @p0 s0;
	v4 =	vpsel p0, v7, v0;
	[tilespmem:s1+$0xFFFFFFF0] =	vst @p0 v2;
	v2 =	vsub.f32 v3, v63  }
0x136: {  	[tilespmem:s0+$0xFFFFFFF0] =	vst @p0 v4  }
0x137: {  	[tilespmem:s15+$0xFFFFFFF0] =	vst v2  }
0x138: {  	s31 =	simm.s32 $0x3080;
	[tilespmem:s16+$0xFFFFFFF0] =	vst v62  }
0x139: {  	s18 =	simm.s32 $0x0;
	s19 =	simm.s32 $0x0;
	_ =	strace $0x80000048  }
0x13a: {  	s20 =	simm.s32 $0x0;
	s15 =	simm.s32 $0x0;
	s30 =	rddreg [dreg:$0x6]  }
0x13b: {  	[tilespmem:s31], [sflag:$0x1] =	stream.linear.gather [hbm4b:s30+s15], $0x4000, $0x200038;
	[tilespmem:$0x13080] =	vst v63  }
0x13c: {  	s3 =	simm.s32 $0x0;
	s2 =	simm.s32 $0x1;
	_ =	strace $0x90000048  }
.LBB2_18:
0x13d: {  	[dreg:$0xa] =	wrdreg s3;
	s13 =	smov.u32 s15;
	s15 =	sadd.s32 $0x1, s15  }
0x13e: {  	[dreg:$0x9] =	wrdreg s2;
	p0 =	seq.s32 s15, $0x10  }
0x13f: {  	p6 =	sne.s32 s20, $0xF;
	s6 =	rddreg [dreg:$0x5];
	s15 =	simm.s32 @p0 $0x0  }
0x140: {  	s17 =	sand.u32 $0x1, s19;
	s21 =	sshll.u32 s19, $0xE;
	p1 =	sne.s32 s13, s15  }
0x141: {  	s22 =	simm.s32 $0x0;
	s25 =	simm.s32 $0x0;
	p0 =	por !p6, !p1  }
0x142: {  	s4 =	simm.s32 $0x0;
	s9 =	simm.s32 $0x8;
	p0 =	por !p0, !p0  }
0x143: {  	s8 =	simm.s32 $0x80;
	s0 =	sand.u32 @p0 $0x1, s2;
	s1 =	sadd.s32 @p0 s6, s15  }
0x144: {  	_ =	strace @p0 $0x80000049;
	s2 =	sshll.u32 @p0 s0, $0xE;
	s1 =	sshll.u32 @p0 s1, $0xB  }
0x145: {  	s0 =	sadd.s32 @p0 $0x1, s0;
	s3 =	rddreg [dreg:$0x0];
	s1 =	sand.u32 @p0 $0x1FFFF800, s1  }
0x146: {  	s2 =	sor.u32 @p0 $0x3080, s2;
	s1 =	sadd.s32 @p0 s3, s1;
	s3 =	simm.s32 @p0 $0x0  }
0x147: {  	[tilespmem:s2], [sflag:s0] =	stream.linear.gather @p0 [hbm4b:s1+s3], $0x4000, $0x200038;
	[tilespmem:$0x13080] =	vst v63  }
0x148: {  	s23 =	sand.u32 $0x8, s22;
	s1 =	sand.u32 $0x4000, s21;
	_ =	strace @p0 $0x90000049  }
0x149: {  	s0 =	sadd.s32 $0x1, s17;
	s1 =	sor.u32 $0x3080, s1;
	_ =	strace $0x8000004A  }
0x14a: {  	s26 =	sshll.u32 s23, $0x7;
	s2 =	sand.u32 $0x3800, s25;
	v2 =	vmov s1;
	_ =	swait.ge [sflag:s0], $0x4000  }
0x14b: {  	s5 =	sand.u32 $0x380, s4;
	s3 =	sor.u32 s26, s2;
	[sflag:s0] =	ssyncset.done $0x0  }
0x14c: {  	s16 =	simm.s32 $0x40;
	s21 =	sor.u32 s5, s3;
	[sflag:s0] =	ssyncadd.s32 $0xFFFFC000  }
0x14d: {  	s1 =	sand.u32 $0x3800, s8;
	s0 =	sand.u32 $0x8, s9;
	_ =	strace $0x9000004A  }
0x14e: {  	s14 =	sor.u32 $0x70, s21;
	s10 =	sshll.u32 s0, $0x7;
	_ =	strace $0x8000004B  }
0x14f: {  	s17 =	sand.u32 $0x380, s16;
	s25 =	sor.u32 $0x20, s21;
	s1 =	sor.u32 s10, s1;
	v3 =	vld.idx.msk [tilespmem:v2+s14+$0x0 ss:$0x1], $0xffff  }
0x150: {  	v6 =	vld.idx.msk [tilespmem:v2+s25+$0x0 ss:$0x1], $0xffff;
	s28 =	sor.u32 s17, s1  }
0x151: {  	s8 =	sor.u32 $0x70, s28  }
0x152: {  	s30 =	sor.u32 $0x10, s28;
	v20 =	vld.idx.msk [tilespmem:v2+s8+$0x0 ss:$0x1], $0xffff  }
0x153: {  	v21 =	vld.idx.msk [tilespmem:v2+s30+$0x0 ss:$0x1], $0xffff  }
0x154: {  	s29 =	sor.u32 $0x10, s21;
	v4 =	vld.idx.msk [tilespmem:v2+s21+$0x0 ss:$0x1], $0xffff  }
0x155: {  	s24 =	sor.u32 $0x40, s21;
	v5 =	vld.idx.msk [tilespmem:v2+s29+$0x0 ss:$0x1], $0xffff;
	v8 =	vmul.f32 $1.600000000e+01, v3;
	v6 =	vmul.f32 $1.600000000e+01, v6  }
0x156: {  	s2 =	sshll.u32 s23, $0x8;
	s23 =	sor.u32 $0x50, s21;
	v10 =	vld.idx.msk [tilespmem:v2+s24+$0x0 ss:$0x1], $0xffff  }
0x157: {  	s26 =	sor.u32 $0x30, s21;
	v11 =	vld.idx.msk [tilespmem:v2+s23+$0x0 ss:$0x1], $0xffff;
	v3 =	vtrunc.f32 v8;
	v15 =	vtrunc.f32 v6  }
0x158: {  	s22 =	sor.u32 $0x60, s21;
	v7 =	vld.idx.msk [tilespmem:v2+s26+$0x0 ss:$0x1], $0xffff;
	v22 =	vmul.f32 $1.600000000e+01, v20;
	v20 =	vmul.f32 $1.600000000e+01, v21  }
0x159: {  	v12 =	vld.idx.msk [tilespmem:v2+s22+$0x0 ss:$0x1], $0xffff;
	v9 =	vcvt.f32.s32 v3;
	v3 =	vmul.f32 $1.600000000e+01, v4  }
0x15a: {  	s7 =	sor.u32 $0x700, s2;
	v5 =	vmul.f32 $1.600000000e+01, v5;
	v15 =	vcvt.f32.s32 v15  }
0x15b: {  	v35 =	vtrunc.f32 v20;
	v4 =	vadd.s32 s7, v9;
	v14 =	vtrunc.f32 v3  }
0x15c: {  	v9 =	vmul.f32 $1.600000000e+01, v10;
	v10 =	vmul.f32 $1.600000000e+01, v11;
	v13 =	vadd.s32 v1, v4  }
0x15d: {  	v4 =	vmul.f32 $1.600000000e+01, v7;
	v7 =	vtrunc.f32 v5  }
0x15e: {  	v11 =	vmul.f32 $1.600000000e+01, v12;
	v7 =	vcvt.f32.s32 v7  }
0x15f: {  	s3 =	sor.u32 $0x100, s2;
	v19 =	vld.idx.msk [tilespmem:v2+s28+$0x0 ss:$0x1], $0xffff;
	s31 =	sor.u32 $0x20, s28;
	v14 =	vcvt.f32.s32 v14;
	v12 =	vtrunc.f32 v9  }
0x160: {  	v24 =	vld.idx.msk [tilespmem:v2+s31+$0x0 ss:$0x1], $0xffff;
	v18 =	vtrunc.f32 v10;
	v16 =	vtrunc.f32 v4;
	v7 =	vadd.s32 s3, v7  }
0x161: {  	s4 =	sor.u32 $0x200, s2;
	v12 =	vcvt.f32.s32 v12;
	v16 =	vcvt.f32.s32 v16;
	v31 =	vadd.s32 v1, v7;
	v17 =	vld.idx.msk [tilespmem:v13+s12+$0x0], $0xffff  }
0x162: {  	s7 =	sor.u32 $0x300, s2;
	v15 =	vadd.s32 s4, v15;
	s4 =	sor.u32 $0x40, s28;
	v18 =	vcvt.f32.s32 v18;
	v30 =	vld.idx.msk [tilespmem:v13+s11+$0x0], $0xffff;
	v13 =	vtrunc.f32 v11  }
0x163: {  	s5 =	sor.u32 $0x400, s2;
	s10 =	sor.u32 $0x500, s2;
	s1 =	sor.u32 $0x30, s28;
	v32 =	vadd.s32 v1, v15;
	v26 =	vld.idx.msk [tilespmem:v2+s4+$0x0 ss:$0x1], $0xffff;
	v7 =	vadd.s32 s7, v16;
	v13 =	vcvt.f32.s32 v13  }
0x164: {  	s16 =	sor.u32 $0x600, s2;
	v12 =	vadd.s32 s5, v12;
	v15 =	vadd.s32 s10, v18;
	s10 =	sor.u32 $0x50, s28;
	v16 =	vld.idx.msk [tilespmem:v2+s1+$0x0 ss:$0x1], $0xffff;
	v34 =	vadd.s32 v1, v7  }
0x165: {  	v42 =	vcvt.f32.s32 v35;
	v18 =	vadd.s32 v1, v12;
	v27 =	vld.idx.msk [tilespmem:v2+s10+$0x0 ss:$0x1], $0xffff;
	v23 =	vadd.s32 s16, v13  }
0x166: {  	s17 =	sand.u32 $0x1, s18;
	v14 =	vadd.s32 s2, v14;
	s5 =	sor.u32 $0x60, s28;
	v7 =	vmul.f32 $1.600000000e+01, v19;
	v12 =	vadd.s32 v1, v23;
	v23 =	vld.idx.msk [tilespmem:v31+s12+$0x0], $0xffff  }
0x167: {  	s2 =	sshll.u32 s17, $0xE;
	v19 =	vmul.f32 $1.600000000e+01, v24;
	v13 =	vadd.s32 v1, v15;
	v33 =	vmul.f32 v17, v8;
	v17 =	vld.idx.msk [tilespmem:v2+s5+$0x0 ss:$0x1], $0xffff;
	[dreg:$0xb] =	wrdreg s17  }
0x168: {  	s2 =	sor.u32 $0xB080, s2;
	v15 =	vadd.s32 v1, v14;
	v14 =	vmul.f32 $1.600000000e+01, v26;
	v8 =	vtrunc.f32 v22;
	v24 =	vld.idx.msk [tilespmem:v32+s12+$0x0], $0xffff  }
0x169: {  	s0 =	sshll.u32 s0, $0x8;
	v38 =	vtrunc.f32 v19;
	v28 =	vcvt.f32.s32 v8;
	v25 =	vld.idx.msk [tilespmem:v34+s12+$0x0], $0xffff;
	[dreg:$0xc] =	wrdreg s2  }
0x16a: {  	s3 =	sor.u32 $0x700, s0;
	v37 =	vtrunc.f32 v7;
	v38 =	vcvt.f32.s32 v38;
	v26 =	vld.idx.msk [tilespmem:v18+s12+$0x0], $0xffff  }
0x16b: {  	v21 =	vmul.f32 $1.600000000e+01, v16;
	v40 =	vtrunc.f32 v14;
	v35 =	vld.idx.msk [tilespmem:v31+s11+$0x0], $0xffff;
	v28 =	vadd.s32 s3, v28  }
0x16c: {  	v8 =	vmov s2;
	v30 =	vadd.f32 v33, v30;
	v33 =	vld.idx.msk [tilespmem:v32+s11+$0x0], $0xffff;
	v36 =	vadd.s32 v1, v28  }
0x16d: {  	v16 =	vmul.f32 $1.600000000e+01, v27;
	v40 =	vcvt.f32.s32 v40;
	v27 =	vld.idx.msk [tilespmem:v13+s12+$0x0], $0xffff  }
0x16e: {  	s16 =	sadd.s32 s6, s13;
	v39 =	vtrunc.f32 v21;
	v29 =	vld.idx.msk [tilespmem:v15+s12+$0x0], $0xffff;
	v17 =	vmul.f32 $1.600000000e+01, v17  }
0x16f: {  	s17 =	sor.u32 $0x200, s0;
	v41 =	vtrunc.f32 v16;
	v31 =	vcvt.f32.s32 v39;
	v28 =	vld.idx.msk [tilespmem:v12+s12+$0x0], $0xffff;
	[dreg:$0xd] =	wrdreg s16  }
0x170: {  	s7 =	sor.u32 $0x100, s0;
	s6 =	sor.u32 $0x300, s0;
	v38 =	vadd.s32 s17, v38;
	v39 =	vcvt.f32.s32 v41;
	v34 =	vld.idx.msk [tilespmem:v34+s11+$0x0], $0xffff;
	v43 =	vtrunc.f32 v17  }
0x171: {  	s13 =	sor.u32 $0x400, s0;
	s2 =	sor.u32 $0x600, s0;
	v32 =	vadd.s32 s7, v42;
	[tilespmem:v8+s14+$0x0 ss:$0x1] =	vst.idx.msk $0xffff, v30;
	s14 =	sor.u32 $0x500, s0;
	v30 =	vcvt.f32.s32 v37;
	v41 =	vcvt.f32.s32 v43;
	v37 =	vld.idx.msk [tilespmem:v36+s12+$0x0], $0xffff  }
.LBB2_19:
0x172: {  	s9 =	sadd.s32 $0x8, s9;
	v42 =	vadd.s32 s6, v31;
	v40 =	vadd.s32 s13, v40;
	v39 =	vadd.s32 s14, v39;
	v43 =	vld.idx.msk [tilespmem:v18+s11+$0x0], $0xffff  }
0x173: {  	v31 =	vadd.s32 v1, v32;
	s14 =	sand.u32 $0x8, s9;
	s3 =	sshll.u32 s9, $0x4;
	p2 =	slt.u32 s9, $0x3F8;
	v44 =	vadd.s32 s0, v30;
	v41 =	vadd.s32 s2, v41;
	v36 =	vld.idx.msk [tilespmem:v36+s11+$0x0], $0xffff  }
0x174: {  	v32 =	vadd.s32 v1, v38;
	v30 =	vadd.s32 v1, v42;
	v18 =	vadd.s32 v1, v40;
	s0 =	sand.u32 $0x3800, s3;
	s2 =	sshll.u32 s14, $0x7;
	s3 =	sshll.u32 s9, $0x3;
	v38 =	vld.idx.msk [tilespmem:v13+s11+$0x0], $0xffff  }
0x175: {  	v40 =	vadd.s32 v1, v44;
	v13 =	vadd.s32 v1, v39;
	s0 =	sor.u32 s2, s0;
	s2 =	sand.u32 $0x380, s3;
	v39 =	vld.idx.msk [tilespmem:v12+s11+$0x0], $0xffff;
	v12 =	vadd.s32 v1, v41  }
0x176: {  	v23 =	vmul.f32 v23, v5;
	v24 =	vmul.f32 v24, v6;
	v5 =	vmovc v20;
	s2 =	sor.u32 s2, s0;
	v41 =	vld.idx.msk [tilespmem:v15+s11+$0x0], $0xffff;
	v15 =	vmov v40  }
0x177: {  	v25 =	vmul.f32 v25, v4;
	v6 =	vmovc v19;
	v4 =	vmov v21;
	v22 =	vmul.f32 v37, v22;
	v20 =	vld.idx.msk [tilespmem:v2+s2+$0x0 ss:$0x1], $0xffff;
	s0 =	sor.u32 $0x10, s2;
	s3 =	sor.u32 $0x20, s2;
	s6 =	sor.u32 $0x70, s2  }
0x178: {  	v9 =	vmul.f32 v26, v9;
	v10 =	vmul.f32 v27, v10;
	v21 =	vadd.f32 v23, v35;
	s13 =	sor.u32 $0x30, s2;
	s7 =	sor.u32 $0x40, s2;
	s16 =	sor.u32 $0x50, s2;
	v19 =	vld.idx.msk [tilespmem:v2+s6+$0x0 ss:$0x1], $0xffff  }
0x179: {  	v3 =	vmul.f32 v29, v3;
	v11 =	vmul.f32 v28, v11;
	s17 =	sor.u32 $0x60, s2;
	v22 =	vadd.f32 v22, v36;
	v23 =	vld.idx.msk [tilespmem:v2+s0+$0x0 ss:$0x1], $0xffff  }
0x17a: {  	v26 =	vld.idx.msk [tilespmem:v2+s3+$0x0 ss:$0x1], $0xffff;
	[tilespmem:v8+s29+$0x0 ss:$0x1] =	vst.idx.msk $0xffff, v21;
	v21 =	vadd.f32 v24, v33;
	v24 =	vadd.f32 v25, v34;
	s29 =	smov.u32 s30;
	s30 =	smov.u32 s0  }
0x17b: {  	v27 =	vadd.f32 v9, v43;
	v28 =	vadd.f32 v10, v38;
	v25 =	vld.idx.msk [tilespmem:v2+s13+$0x0 ss:$0x1], $0xffff;
	[tilespmem:v8+s8+$0x0 ss:$0x1] =	vst.idx.msk $0xffff, v22;
	s8 =	smov.u32 s6  }
0x17c: {  	v33 =	vadd.f32 v3, v41;
	v29 =	vld.idx.msk [tilespmem:v2+s7+$0x0 ss:$0x1], $0xffff;
	[tilespmem:v8+s25+$0x0 ss:$0x1] =	vst.idx.msk $0xffff, v21;
	v21 =	vadd.f32 v11, v39;
	s25 =	smov.u32 s31;
	s31 =	smov.u32 s3  }
0x17d: {  	v9 =	vmovc v14;
	v10 =	vmov v16;
	v3 =	vmov v7;
	v7 =	vmul.f32 $1.600000000e+01, v20;
	v34 =	vld.idx.msk [tilespmem:v2+s16+$0x0 ss:$0x1], $0xffff;
	[tilespmem:v8+s26+$0x0 ss:$0x1] =	vst.idx.msk $0xffff, v24;
	s26 =	smov.u32 s1;
	s1 =	smov.u32 s13  }
0x17e: {  	v11 =	vmov v17;
	v22 =	vmul.f32 $1.600000000e+01, v19;
	v35 =	vld.idx.msk [tilespmem:v2+s17+$0x0 ss:$0x1], $0xffff;
	[tilespmem:v8+s24+$0x0 ss:$0x1] =	vst.idx.msk $0xffff, v27;
	s24 =	smov.u32 s4;
	s4 =	smov.u32 s7  }
0x17f: {  	v37 =	vtrunc.f32 v7;
	v20 =	vmul.f32 $1.600000000e+01, v23;
	v23 =	vld.idx.msk [tilespmem:v31+s12+$0x0], $0xffff;
	[tilespmem:v8+s23+$0x0 ss:$0x1] =	vst.idx.msk $0xffff, v28;
	s23 =	smov.u32 s10;
	s10 =	smov.u32 s16  }
0x180: {  	v19 =	vmul.f32 $1.600000000e+01, v26;
	v14 =	vtrunc.f32 v22;
	v24 =	vld.idx.msk [tilespmem:v32+s12+$0x0], $0xffff;
	[tilespmem:v8+s22+$0x0 ss:$0x1] =	vst.idx.msk $0xffff, v21;
	s22 =	smov.u32 s5;
	s5 =	smov.u32 s17  }
0x181: {  	s0 =	sshll.u32 s14, $0x8;
	v21 =	vmul.f32 $1.600000000e+01, v25;
	v17 =	vcvt.f32.s32 v14;
	v25 =	vld.idx.msk [tilespmem:v30+s12+$0x0], $0xffff;
	[tilespmem:v8+s21+$0x0 ss:$0x1] =	vst.idx.msk $0xffff, v33;
	s21 =	smov.u32 s28;
	s28 =	smov.u32 s2  }
0x182: {  	s3 =	sor.u32 $0x100, s0;
	s7 =	sor.u32 $0x200, s0;
	v33 =	vtrunc.f32 v20;
	v14 =	vmul.f32 $1.600000000e+01, v29;
	s2 =	sor.u32 $0x700, s0;
	v26 =	vld.idx.msk [tilespmem:v18+s12+$0x0], $0xffff  }
0x183: {  	s6 =	sor.u32 $0x300, s0;
	s14 =	sor.u32 $0x500, s0;
	s13 =	sor.u32 $0x400, s0;
	v38 =	vtrunc.f32 v19;
	v16 =	vmul.f32 $1.600000000e+01, v34;
	v28 =	vadd.s32 s2, v17;
	v27 =	vld.idx.msk [tilespmem:v13+s12+$0x0], $0xffff  }
0x184: {  	v34 =	vtrunc.f32 v21;
	s2 =	sor.u32 $0x600, s0;
	v17 =	vmul.f32 $1.600000000e+01, v35;
	v36 =	vadd.s32 v1, v28;
	v28 =	vld.idx.msk [tilespmem:v12+s12+$0x0], $0xffff  }
.Ltmp8:
0x185: {  	v39 =	vtrunc.f32 v14;
	v41 =	vtrunc.f32 v16;
	v29 =	vld.idx.msk [tilespmem:v15+s12+$0x0], $0xffff;
	(pc) =	sbr.rel @p2 .LBB2_19-.Ltmp8, $4  }
0x186: {  	v40 =	vcvt.f32.s32 v33;
	v42 =	vtrunc.f32 v17;
	v35 =	vld.idx.msk [tilespmem:v31+s11+$0x0], $0xffff  }
0x187: {  	v38 =	vcvt.f32.s32 v38;
	v31 =	vcvt.f32.s32 v34;
	v33 =	vld.idx.msk [tilespmem:v32+s11+$0x0], $0xffff  }
0x188: {  	v32 =	vadd.s32 s3, v40;
	v40 =	vcvt.f32.s32 v39;
	v39 =	vcvt.f32.s32 v41;
	v34 =	vld.idx.msk [tilespmem:v30+s11+$0x0], $0xffff  }
0x189: {  	v38 =	vadd.s32 s7, v38;
	v41 =	vcvt.f32.s32 v42;
	v30 =	vcvt.f32.s32 v37;
	v37 =	vld.idx.msk [tilespmem:v36+s12+$0x0], $0xffff  }
0x18a: {  	_ =	sdelay $0x3  }
0x18b: {  	v2 =	vld.idx.msk [tilespmem:v18+s11+$0x0], $0xffff;
	v61 =	vadd.s32 v1, v32  }
0x18c: {  	v62 =	vld.idx.msk [tilespmem:v36+s11+$0x0], $0xffff;
	v63 =	vadd.s32 v1, v38  }
0x18d: {  	v13 =	vld.idx.msk [tilespmem:v13+s11+$0x0], $0xffff  }
0x18e: {  	v31 =	vadd.s32 s6, v31;
	v12 =	vld.idx.msk [tilespmem:v12+s11+$0x0], $0xffff  }
0x18f: {  	v44 =	vadd.s32 s13, v40;
	v15 =	vld.idx.msk [tilespmem:v15+s11+$0x0], $0xffff;
	v31 =	vadd.s32 v1, v31  }
0x190: {  	v39 =	vadd.s32 s14, v39;
	v38 =	vadd.s32 v1, v44;
	v46 =	vld.idx.msk [tilespmem:v61+s12+$0x0], $0xffff  }
0x191: {  	v39 =	vadd.s32 v1, v39;
	v42 =	vld.idx.msk [tilespmem:v63+s12+$0x0], $0xffff  }
0x192: {  	v5 =	vmul.f32 v23, v5;
	v6 =	vmul.f32 v24, v6;
	v18 =	vld.idx.msk [tilespmem:v61+s11+$0x0], $0xffff  }
0x193: {  	v4 =	vmul.f32 v25, v4;
	v51 =	vmul.f32 v26, v9;
	v54 =	vld.idx.msk [tilespmem:v63+s11+$0x0], $0xffff  }
0x194: {  	v10 =	vmul.f32 v27, v10;
	v45 =	vadd.s32 s2, v41;
	v5 =	vadd.f32 v5, v35;
	v47 =	vld.idx.msk [tilespmem:v31+s12+$0x0], $0xffff  }
0x195: {  	v30 =	vadd.s32 s0, v30;
	v40 =	vadd.s32 v1, v45;
	v6 =	vadd.f32 v6, v33;
	v48 =	vld.idx.msk [tilespmem:v38+s12+$0x0], $0xffff  }
0x196: {  	v30 =	vadd.s32 v1, v30;
	v4 =	vadd.f32 v4, v34;
	[tilespmem:v8+s29+$0x0 ss:$0x1] =	vst.idx.msk $0xffff, v5;
	v49 =	vld.idx.msk [tilespmem:v39+s12+$0x0], $0xffff  }
0x197: {  	v3 =	vmul.f32 v29, v3;
	[tilespmem:v8+s25+$0x0 ss:$0x1] =	vst.idx.msk $0xffff, v6;
	v2 =	vadd.f32 v51, v2;
	v56 =	vld.idx.msk [tilespmem:v31+s11+$0x0], $0xffff  }
0x198: {  	v53 =	vmul.f32 v28, v11;
	[tilespmem:v8+s26+$0x0 ss:$0x1] =	vst.idx.msk $0xffff, v4;
	v55 =	vadd.f32 v10, v13;
	v57 =	vld.idx.msk [tilespmem:v38+s11+$0x0], $0xffff  }
0x199: {  	v22 =	vmul.f32 v37, v22;
	v3 =	vadd.f32 v3, v15;
	v59 =	vld.idx.msk [tilespmem:v39+s11+$0x0], $0xffff;
	[tilespmem:v8+s24+$0x0 ss:$0x1] =	vst.idx.msk $0xffff, v2  }
0x19a: {  	v50 =	vld.idx.msk [tilespmem:v40+s12+$0x0], $0xffff;
	v2 =	vadd.f32 v53, v12;
	[tilespmem:v8+s23+$0x0 ss:$0x1] =	vst.idx.msk $0xffff, v55;
	v58 =	vmul.f32 v46, v20  }
0x19b: {  	v22 =	vadd.f32 v22, v62;
	v52 =	vld.idx.msk [tilespmem:v30+s12+$0x0], $0xffff;
	[tilespmem:v8+s21+$0x0 ss:$0x1] =	vst.idx.msk $0xffff, v3;
	v60 =	vmul.f32 v42, v19  }
0x19c: {  	[tilespmem:v8+s22+$0x0 ss:$0x1] =	vst.idx.msk $0xffff, v2;
	v2 =	vld.idx.msk [tilespmem:v40+s11+$0x0], $0xffff;
	v61 =	vmul.f32 v47, v21;
	v11 =	vadd.f32 v58, v18  }
0x19d: {  	v3 =	vld.idx.msk [tilespmem:v30+s11+$0x0], $0xffff;
	[tilespmem:v8+s8+$0x0 ss:$0x1] =	vst.idx.msk $0xffff, v22;
	v14 =	vmul.f32 v48, v14;
	v5 =	vadd.f32 v60, v54  }
0x19e: {  	v62 =	vmul.f32 v49, v16;
	v10 =	vadd.f32 v61, v56;
	[tilespmem:v8+s30+$0x0 ss:$0x1] =	vst.idx.msk $0xffff, v11  }
0x19f: {  	v63 =	vmul.f32 v50, v17;
	v6 =	vadd.f32 v14, v57;
	[tilespmem:v8+s31+$0x0 ss:$0x1] =	vst.idx.msk $0xffff, v5  }
0x1a0: {  	v7 =	vmul.f32 v52, v7;
	v4 =	vadd.f32 v62, v59;
	[tilespmem:v8+s1+$0x0 ss:$0x1] =	vst.idx.msk $0xffff, v10  }
0x1a1: {  	v2 =	vadd.f32 v63, v2;
	[tilespmem:v8+s4+$0x0 ss:$0x1] =	vst.idx.msk $0xffff, v6  }
0x1a2: {  	v3 =	vadd.f32 v7, v3;
	[tilespmem:v8+s10+$0x0 ss:$0x1] =	vst.idx.msk $0xffff, v4  }
0x1a3: {  	[tilespmem:v8+s5+$0x0 ss:$0x1] =	vst.idx.msk $0xffff, v2  }
0x1a4: {  	p2 =	seq.s32 s20, $0xF;
	[tilespmem:v8+s28+$0x0 ss:$0x1] =	vst.idx.msk $0xffff, v3  }
0x1a5: {  	p1 =	por p2, p1;
	_ =	strace $0x9000004B  }
0x1a6: {  	s0 =	rddreg [dreg:$0xd];
	_ =	strace @p1 $0x8000004C  }
0x1a7: {  	s1 =	rddreg [dreg:$0xb]  }
0x1a8: {  	s0 =	sshll.u32 @p1 s0, $0xB;
	s2 =	rddreg [dreg:$0x2]  }
0x1a9: {  	s3 =	rddreg [dreg:$0xc];
	s0 =	sand.u32 @p1 $0x1FFFF800, s0  }
0x1aa: {  	s1 =	sadd.s32 @p1 $0x3, s1;
	s0 =	sadd.s32 @p1 s2, s0;
	s2 =	simm.s32 @p1 $0x0  }
0x1ab: {  	[hbm4b:s0+s2] =	stream.linear.scatter @p1 [tilespmem:s3], [sflag:s1], $0x4000, $0x200038;
	[tilespmem:$0x13080] =	vst v63  }
0x1ac: {  	_ =	strace @p1 $0x9000004C  }
0x1ad: {  	p2 =	seq.s32 s20, $0x0;
	s3 =	rddreg [dreg:$0xa]  }
0x1ae: {  	s0 =	sand.u32 @!p2 $0x1, s3  }
0x1af: {  	_ =	strace @!p2 $0x8000004D;
	s0 =	sadd.s32 @!p2 $0x3, s0  }
0x1b0: {  	s1 =	simm.s32 $0x1;
	_ =	swait.ge @!p2 [sflag:s0], $0x4000  }
0x1b1: {  	s1 =	simm.s32 @!p0 $0x0;
	p0 =	sne.s32 s20, $0x0;
	[sflag:s0] =	ssyncset.done @!p2 $0x0  }
0x1b2: {  	s20 =	sadd.s32 $0x1, s20;
	[sflag:s0] =	ssyncadd.s32 @!p2 $0xFFFFC000;
	s0 =	simm.s32 $0x1  }
0x1b3: {  	s0 =	simm.s32 @!p0 $0x0;
	p0 =	sne.s32 s20, $0x10  }
.Ltmp9:
0x1b4: {  	_ = 	snop;
	(pc) =	sbr.rel @p0 .LBB2_18-.Ltmp9, $4  }
0x1b5: {  	s31 =	rddreg [dreg:$0x9]  }
0x1b6: {  	s2 =	sadd.s32 s1, s31;
	s1 =	simm.s32 $0x1  }
0x1b7: {  	s1 =	simm.s32 @!p1 $0x0;
	_ =	strace @!p2 $0x9000004D  }
0x1b8: {  	s3 =	sadd.s32 s0, s3;
	s18 =	sadd.s32 s1, s18;
	s19 =	sadd.s32 s1, s19  }
0x1b9: {  	_ =	strace $0x8000004E;
	s0 =	simm.s32 $0x4  }
0x1ba: {  	_ =	swait.ge [sflag:s0], $0x4000  }
0x1bb: {  	s9 =	rddreg [dreg:$0x8]  }
0x1bc: {  	s31 =	rddreg [dreg:$0x7];
	s9 =	sadd.s32 $0x1, s9  }
0x1bd: {  	p0 =	sne.s32 s9, s31  }
.Ltmp10:
0x1be: {  	_ = 	snop;
	(pc) =	sbr.rel @p0 .LBB2_1-.Ltmp10, $4  }
.Ltmp11:
0x1bf: {  	_ = 	snop;
	(pc) =	sbr.rel @!p0 .LBB2_22-.Ltmp11, $4  }
0x1c0: {  	[sflag:s0] =	ssyncset.done $0x0  }
0x1c1: {  	[sflag:s0] =	ssyncadd.s32 $0xFFFFC000  }
0x1c2: {  	_ =	strace $0x9000004E  }
0x1c3: {  	_ = 	snop  }
.LBB2_6:
.Ltmp12:
0x1c4: {  	(pc) =	sbr.rel .LBB2_17-.Ltmp12, $2  }
0x1c5: {  	_ =	sdelay $0x2  }
0x1c6: {  	s1 =	simm.s32 $0x1890;
	s3 =	simm.s32 $0x2890  }
.LBB2_8:
.Ltmp13:
0x1c7: {  	(pc) =	sbr.rel .LBB2_17-.Ltmp13, $2  }
0x1c8: {  	_ =	sdelay $0x2  }
0x1c9: {  	s1 =	simm.s32 $0x1890;
	s3 =	simm.s32 $0x2890  }
.LBB2_10:
.Ltmp14:
0x1ca: {  	(pc) =	sbr.rel .LBB2_17-.Ltmp14, $2  }
0x1cb: {  	_ =	sdelay $0x2  }
0x1cc: {  	s1 =	simm.s32 $0x1890;
	s3 =	simm.s32 $0x2890  }
.LBB2_12:
.Ltmp15:
0x1cd: {  	(pc) =	sbr.rel .LBB2_17-.Ltmp15, $2  }
0x1ce: {  	_ =	sdelay $0x2  }
0x1cf: {  	v10 =	vmovc v3;
	s1 =	simm.s32 $0x1890;
	v9 =	vmovc v5;
	s3 =	simm.s32 $0x2890;
	v12 =	vmov v2;
	v17 =	vmov v7;
	v18 =	vmov v6  }
.LBB2_14:
.Ltmp16:
0x1d0: {  	(pc) =	sbr.rel .LBB2_17-.Ltmp16, $3  }
0x1d1: {  	_ =	sdelay $0x1  }
0x1d2: {  	s1 =	simm.s32 $0x1890  }
0x1d3: {  	s3 =	simm.s32 $0x2890;
	v16 =	vmov v5;
	s4 =	simm.s32 $0x1890;
	s5 =	simm.s32 $0x2890  }
.LBB2_22:
0x1d4: {  	_ =	sfence.sel $0x180000  }
0x1d5: {  	[bflag:$0x0] =	sbarrier.arrive $0xFFFF  }
0x1d6: {  	_ =	strace $0x90000047  }
0x1d7: {  	s0 =	stileid.u32;
	[bflag:$0x2] =	sbarrier.arrive $0xFFFF  }
0x1d8: {  	p0 =	sne.s32 s0, $0x0;
	s0 =	rddreg [dreg:$0x3]  }
0x1d9: {  	s0 =	sadd.s32 @!p0 $0x100000, s0  }
0x1da: {  	[sflag:s0] =	ssyncadd.tile.s32 @!p0 $0x1;
	_ =	shalt  }
.Lfunc_end2:
_tile_overlayer_lowered:
.L_overlay_start_2:
0x1db: {  	(tag) =	ssettag $0x2  }
0x1dc: {  	s0 =	rddreg [dreg:$0x0];
	s2 =	stileid.u32  }
0x1dd: {  	s1 =	rddreg [dreg:$0x1];
	p0 =	sne.s32 s2, $0x0  }
0x1de: {  	s3 =	rddreg [dreg:$0x2];
	[bflag:$0x3] =	sbarrier.arrive $0xFFFF;
	s2 =	simm.s32 @!p0 $0x1C01  }
0x1df: {  	[timem:s3], [sflag:s2] =	dma.local @!p0 [hbm:s0], s1  }
0x1e0: {  	s0 =	simm.s32 @!p0 $0x1  }
0x1e1: {  	_ =	swait.ge @!p0 [sflag:s0], s1  }
0x1e2: {  	s1 =	ssub.s32 @!p0 $0x0, s1;
	[sflag:s0] =	ssyncset.done @!p0 $0x0  }
0x1e3: {  	[sflag:s0] =	ssyncadd.s32 @!p0 s1  }
0x1e4: {  	[bflag:$0x3] =	sbarrier.arrive $0xFFFF  }
0x1e5: {  	_ =	shalt  }

</sc_bundles>
